<compile_context>
chip_gen: v7x
topology: tpu7x:2x2x1
jax: 0.10.2.dev20260603
libtpu: 0.0.44.dev20260713+nightly
codegen_flags: <defaults>
</compile_context>

<pallas_src>
import dataclasses

import jax
import jax.numpy as jnp
from jax import lax
from jax.experimental import pallas as pl
from jax.experimental.pallas import tpu as pltpu
from jax.experimental.pallas import tpu_sc as plsc

_N = 10000
_E = 160000
_D = 256
_C = 32
_G = 64
_L = 4

_NC = 2
_NS = 16
_NW = _NC * _NS
_EPW = _E // _NW
_KCH = 40
_BCH = _EPW // _KCH
_VL = 16
_NBUF = 8
_LOOK = 4


def _sc_params():
    cp = pltpu.CompilerParams(use_tc_tiling_on_sc=False)
    if "needs_layout_passes" in pltpu.CompilerParams.__dataclass_fields__:
        cp = dataclasses.replace(cp, needs_layout_passes=False)
    return cp


def _sc_mesh():
    return plsc.VectorSubcoreMesh(
        core_axis_name="core", subcore_axis_name="subcore",
        num_cores=_NC, num_subcores=_NS)


def _hist_body(edge_hbm, out_hbm, sidx, didx, hp):
    c = lax.axis_index("core")
    s = lax.axis_index("subcore")
    wid = c * _NS + s
    pltpu.sync_copy(edge_hbm.at[0].at[wid], sidx)
    pltpu.sync_copy(edge_hbm.at[1].at[wid], didx)

    z16 = jnp.zeros((_VL,), jnp.int32)

    @pl.loop(0, _N // _VL)
    def _(j):
        hp[pl.ds(j * _VL, _VL)] = z16

    def bump(idxv, weight, elig):
        cnt, last = plsc.scan_count(idxv, mask=elig)
        m = last if elig is None else (last & elig)
        plsc.addupdate_scatter(hp, [idxv], cnt * weight, mask=m)

    nfull = _BCH // _VL
    tail = nfull * _VL - (_BCH - _VL)
    elig = lax.iota(jnp.int32, _VL) >= tail

    @pl.loop(0, _KCH)
    def _(r):
        for w in range(nfull):
            bump(sidx[r, pl.ds(w * _VL, _VL)], 1, None)
            bump(didx[r, pl.ds(w * _VL, _VL)], 65536, None)
        bump(sidx[r, pl.ds(_BCH - _VL, _VL)], 1, elig)
        bump(didx[r, pl.ds(_BCH - _VL, _VL)], 65536, elig)

    pltpu.sync_copy(hp, out_hbm.at[wid])


def _run_hist(edge2):
    k = pl.kernel(
        _hist_body,
        out_type=jax.ShapeDtypeStruct((_NW, _N), jnp.int32),
        mesh=_sc_mesh(),
        compiler_params=_sc_params(),
        scratch_types=[
            pltpu.VMEM((_KCH, _BCH), jnp.int32),
            pltpu.VMEM((_KCH, _BCH), jnp.int32),
            pltpu.VMEM((_N,), jnp.int32),
        ],
    )
    return k(edge2)


def _msg_body(y_hbm, edge_hbm, zero_hbm, out_hbm,
              sidx, didx, rows, agg_sh, *sems):
    c = lax.axis_index("core")
    s = lax.axis_index("subcore")
    wid = c * _NS + s
    gsem = sems[:_NBUF]
    ssem = sems[_NBUF:]
    pltpu.sync_copy(edge_hbm.at[0].at[wid], sidx)
    pltpu.sync_copy(edge_hbm.at[1].at[wid], didx)
    slab = 640
    off = pl.multiple_of(jnp.minimum(s * slab, _N - slab), 8)
    pltpu.sync_copy(zero_hbm, agg_sh.at[pl.ds(off, slab)])
    plsc.subcore_barrier()

    def rslice(slot):
        return rows.at[pl.ds(slot * _BCH, _BCH)]

    def fire_gather(j, slot):
        pltpu.async_copy(y_hbm.at[sidx.at[j]], rslice(slot), gsem[slot])

    def wait_gather(j, slot):
        pltpu.make_async_copy(y_hbm.at[sidx.at[j]], rslice(slot),
                              gsem[slot]).wait()

    def fire_scatter(j, slot):
        pltpu.async_copy(rslice(slot), agg_sh.at[didx.at[j]], ssem[slot],
                         add=True)

    def wait_scatter(j, slot):
        pltpu.make_async_copy(rslice(slot), agg_sh.at[didx.at[j]],
                              ssem[slot]).wait()

    for p in range(_LOOK):
        fire_gather(p, p)

    @pl.loop(0, _KCH, step=_NBUF)
    def _(base):
        for b in range(_NBUF):
            j = base + b
            wait_gather(j, b)
            fire_scatter(j, b)
            nslot = (b + _LOOK) % _NBUF

            @pl.when(j + _LOOK < _KCH)
            def _():
                @pl.when(j + _LOOK - _NBUF >= 0)
                def _():
                    wait_scatter(j + _LOOK - _NBUF, nslot)
                fire_gather(j + _LOOK, nslot)

    for b in range(_NBUF):
        wait_scatter(_KCH - _NBUF + b, b)

    plsc.subcore_barrier()
    pltpu.sync_copy(agg_sh.at[pl.ds(off, slab)],
                    out_hbm.at[c].at[pl.ds(off, slab)])


def _run_msg(y1p, edge2, zeros):
    k = pl.kernel(
        _msg_body,
        out_type=jax.ShapeDtypeStruct((_NC, _N, _C), jnp.bfloat16),
        mesh=_sc_mesh(),
        compiler_params=_sc_params(),
        scratch_types=[
            pltpu.VMEM((_KCH, _BCH), jnp.int32),
            pltpu.VMEM((_KCH, _BCH), jnp.int32),
            pltpu.VMEM((_NBUF * _BCH, _C), jnp.bfloat16),
            pltpu.VMEM_SHARED((_N, _C), jnp.bfloat16),
        ] + [pltpu.SemaphoreType.DMA] * (2 * _NBUF),
    )
    return k(y1p, edge2, zeros)


def _tc0_body(x_ref, w1_ref, w2_ref, b_ref, y1_ref, z_ref):
    xb = x_ref[...].astype(jnp.bfloat16)
    y1_ref[...] = jnp.dot(xb, w1_ref[...].astype(jnp.bfloat16),
                          preferred_element_type=jnp.float32
                          ).astype(jnp.bfloat16)
    z_ref[...] = (jnp.dot(xb, w2_ref[...].astype(jnp.bfloat16),
                          preferred_element_type=jnp.float32)
                  + b_ref[...]).astype(jnp.bfloat16)


def _run_tc0(x, w1, w2, b2):
    return pl.pallas_call(
        _tc0_body,
        out_shape=[
            jax.ShapeDtypeStruct((_N, _C), jnp.bfloat16),
            jax.ShapeDtypeStruct((_N, _C), jnp.bfloat16),
        ],
    )(x, w1, w2, b2)


def _tc1_body(y1_ref, hist_ref, yp_ref):
    h = hist_ref[...]
    lo = (h & 0xFFFF).astype(jnp.float32)
    ones = jnp.ones((_NW, 1), jnp.float32)
    dego = lax.dot_general(lo, ones, (((0,), (0,)), ((), ())),
                           preferred_element_type=jnp.float32)
    a_col = lax.rsqrt(jnp.maximum(dego, 1.0))
    yp_ref[...] = (y1_ref[...].astype(jnp.float32) * a_col).astype(jnp.bfloat16)


def _run_tc1(y1, hist):
    return pl.pallas_call(
        _tc1_body,
        out_shape=jax.ShapeDtypeStruct((_N, _C), jnp.bfloat16),
    )(y1, hist)


def _tc2_body(aggp_ref, hist_ref, z_ref, i_ref, wd_ref, bd_ref, o_ref):
    hp = hist_ref[...]
    hi = lax.shift_right_logical(hp, 16).astype(jnp.float32)
    ones32 = jnp.ones((_NW, 1), jnp.float32)
    degi = lax.dot_general(hi, ones32, (((0,), (0,)), ((), ())),
                           preferred_element_type=jnp.float32)
    c_col = lax.rsqrt(jnp.maximum(degi, 1.0))
    agg = aggp_ref[0].astype(jnp.float32) + aggp_ref[1].astype(jnp.float32)
    h = jax.nn.sigmoid(c_col * agg + z_ref[...].astype(jnp.float32))
    grow = lax.broadcasted_iota(jnp.int32, (_G, _N), 0)
    onehot_t = (grow == i_ref[...]).astype(jnp.bfloat16)
    sums = jnp.dot(onehot_t, h.astype(jnp.bfloat16),
                   preferred_element_type=jnp.float32)
    cnt = jnp.dot(onehot_t, jnp.ones((_N, 1), jnp.bfloat16),
                  preferred_element_type=jnp.float32)
    pooled = sums / jnp.maximum(cnt, 1.0)
    logits = jnp.dot(pooled, wd_ref[...],
                     preferred_element_type=jnp.float32) + bd_ref[...]
    m = jnp.max(logits, axis=1, keepdims=True)
    e = jnp.exp(logits - m)
    o_ref[...] = e / jnp.sum(e, axis=1, keepdims=True)


def _run_tc2(aggp, hist, z, i_row, wd, bd2):
    return pl.pallas_call(
        _tc2_body,
        out_shape=jax.ShapeDtypeStruct((_G, _L), jnp.float32),
    )(aggp, hist, z, i_row, wd, bd2)


def kernel(x, edge_index, i, W1, W2, b, Wd, bd):
    edge2 = edge_index.reshape(2, _NW, _KCH, _BCH)
    zeros = jnp.zeros((640, _C), jnp.bfloat16)
    b2 = b.reshape(1, _C)
    bd2 = bd.reshape(1, _L)
    i_row = i.reshape(1, _N)

    hist = _run_hist(edge2)
    y1, z = _run_tc0(x, W1, W2, b2)
    y1p = _run_tc1(y1, hist)
    aggp = _run_msg(y1p, edge2, zeros)
    return _run_tc2(aggp, hist, z, i_row, Wd, bd2)

# --- scband reference (transcript-rebuilt; emitter-appended) ---
"""Pipeline reference for scband-net-27522150433132 (READ-ONLY COPY).

The authoritative reference and input builder live on the scoring server;
editing this copy changes nothing except your own understanding.
"""

import jax, jax.numpy as jnp
import numpy as np

N = 10000
E = 160000
D = 256
C = 32
G = 64
L = 4


def setup_inputs(seed: int = 0) -> dict:
    key = jax.random.key(seed)
    ks = jax.random.split(key, 8)
    x = jax.random.normal(ks[0], (N, D), dtype=jnp.float32)
    edge_index = jax.random.randint(ks[1], (2, E), 0, N, dtype=jnp.int32)
    i = jnp.sort(jax.random.randint(ks[2], (N,), 0, G, dtype=jnp.int32))
    # GCSConv params: W1 for propagated term, W2 for skip term, bias b
    W1 = jax.random.normal(ks[3], (D, C), dtype=jnp.float32) * (1.0 / np.sqrt(D))
    W2 = jax.random.normal(ks[4], (D, C), dtype=jnp.float32) * (1.0 / np.sqrt(D))
    b = jnp.zeros((C,), dtype=jnp.float32)
    # Dense classifier params
    Wd = jax.random.normal(ks[5], (C, L), dtype=jnp.float32) * (1.0 / np.sqrt(C))
    bd = jnp.zeros((L,), dtype=jnp.float32)
    return {"x": x, "edge_index": edge_index, "i": i, "W1": W1, "W2": W2, "b": b, "Wd": Wd, "bd": bd}


def reference(x, edge_index, i, W1, W2, b, Wd, bd):
    n = x.shape[0]
    src = edge_index[0]
    dst = edge_index[1]
    ones_e = jnp.ones((src.shape[0],), dtype=x.dtype)
    # symmetric degree normalization D^{-1/2} A D^{-1/2} (no self loops), as in Spektral GCSConv preprocess
    deg_out = jax.ops.segment_sum(ones_e, src, num_segments=n)
    deg_in = jax.ops.segment_sum(ones_e, dst, num_segments=n)
    norm = 1.0 / jnp.sqrt(jnp.maximum(deg_out[src], 1.0) * jnp.maximum(deg_in[dst], 1.0))
    # message passing: gather source features, scale, scatter-add to destination
    msg = jnp.take(x, src, axis=0) * norm[:, None]
    agg = jax.ops.segment_sum(msg, dst, num_segments=n)
    # GCSConv: propagated term + skip connection, sigmoid activation
    h = jax.nn.sigmoid(agg @ W1 + x @ W2 + b)
    # GlobalAvgPool over batch index i (segment mean per graph)
    sums = jax.ops.segment_sum(h, i, num_segments=G)
    cnt = jax.ops.segment_sum(jnp.ones((n,), dtype=x.dtype), i, num_segments=G)
    pooled = sums / jnp.maximum(cnt, 1.0)[:, None]
    # Dense(n_labels, softmax)
    logits = pooled @ Wd + bd
    return jax.nn.softmax(logits, axis=-1)

if __name__ == "__main__":
    import jax
    _d = setup_inputs()
    print(jax.jit(kernel)(*tuple(_d.values())))

</pallas_src>

<mosaic_0001>
#map = affine_map<(d0, d1) -> (0, 0, 0, 0)>
#map1 = affine_map<(d0, d1) -> (0, 0)>
module attributes {stable_mosaic.version = 14 : i64} {
  func.func @_hist_body(%arg0: i32, %arg1: i32, %arg2: memref<2x32x40x125xi32, #tpu.memory_space<hbm>>, %arg3: memref<32x10000xi32, #tpu.memory_space<hbm>>, %arg4: memref<40x125xi32, #tpu.memory_space<vmem>>, %arg5: memref<40x125xi32, #tpu.memory_space<vmem>>, %arg6: memref<10000xi32, #tpu.memory_space<vmem>>) attributes {dimension_semantics = [#tpu.dimension_semantics<core_parallel>, #tpu.dimension_semantics<subcore_parallel>], iteration_bounds = array<i64: 2, 16>, scalar_prefetch = 0 : i64, scratch_operands = 3 : i64, tpu.core_type = #tpu.core_type<sc_vector_subcore>, window_params = [{transform_indices = #map}, {transform_indices = #map1}]} {
    %mul3A = arith.constant 16 : i32
    %mul3A_0 = arith.muli %arg0, %mul3A : i32
    %add3A = arith.addi %mul3A_0, %arg1 : i32
    %run_scoped3A = arith.constant 0 : i32
    "tpu.region"() ({
      %run_scoped3A_14 = tpu.sem_alloc : memref<!tpu.dma_semaphore, #tpu.memory_space<semaphore_mem>>
      %dma_start3A = arith.constant 0 : i32
      %dma_start3A_15 = arith.constant 0 : i32
      %dma_start3A_16 = arith.constant 0 : i32
      %dma_start3A_17 = tpu.memref_slice %arg2[%run_scoped3A, %dma_start3A, %dma_start3A_15, %dma_start3A_16] : memref<2x32x40x125xi32, #tpu.memory_space<hbm>> -> memref<1x32x40x125xi32, #tpu.memory_space<hbm>>
      %dma_start3A_18 = tpu.memref_squeeze %dma_start3A_17 : memref<1x32x40x125xi32, #tpu.memory_space<hbm>> -> memref<32x40x125xi32, #tpu.memory_space<hbm>>
      %dma_start3A_19 = arith.constant 0 : i32
      %dma_start3A_20 = arith.constant 0 : i32
      %dma_start3A_21 = tpu.memref_slice %dma_start3A_18[%add3A, %dma_start3A_19, %dma_start3A_20] : memref<32x40x125xi32, #tpu.memory_space<hbm>> -> memref<1x40x125xi32, #tpu.memory_space<hbm>>
      %dma_start3A_22 = tpu.memref_squeeze %dma_start3A_21 : memref<1x40x125xi32, #tpu.memory_space<hbm>> -> memref<40x125xi32, #tpu.memory_space<hbm>>
      %dma_start3A_23 = arith.constant 0 : i32
      %dma_start3A_24 = arith.constant 0 : i32
      %dma_start3A_25 = arith.constant 0 : i32
      %dma_start3A_26 = tpu.memref_slice %arg2[%run_scoped3A, %dma_start3A_23, %dma_start3A_24, %dma_start3A_25] : memref<2x32x40x125xi32, #tpu.memory_space<hbm>> -> memref<1x32x40x125xi32, #tpu.memory_space<hbm>>
      %dma_start3A_27 = tpu.memref_squeeze %dma_start3A_26 : memref<1x32x40x125xi32, #tpu.memory_space<hbm>> -> memref<32x40x125xi32, #tpu.memory_space<hbm>>
      %dma_start3A_28 = arith.constant 0 : i32
      %dma_start3A_29 = arith.constant 0 : i32
      %dma_start3A_30 = tpu.memref_slice %dma_start3A_27[%add3A, %dma_start3A_28, %dma_start3A_29] : memref<32x40x125xi32, #tpu.memory_space<hbm>> -> memref<1x40x125xi32, #tpu.memory_space<hbm>>
      %dma_start3A_31 = tpu.memref_squeeze %dma_start3A_30 : memref<1x40x125xi32, #tpu.memory_space<hbm>> -> memref<40x125xi32, #tpu.memory_space<hbm>>
      tpu.enqueue_dma source(%dma_start3A_31 : memref<40x125xi32, #tpu.memory_space<hbm>>) target(%arg4 : memref<40x125xi32, #tpu.memory_space<vmem>>) target_semaphore(%run_scoped3A_14 : memref<!tpu.dma_semaphore, #tpu.memory_space<semaphore_mem>>)
      %dma_wait3A = arith.constant 0 : i32
      %dma_wait3A_32 = arith.constant 0 : i32
      %dma_wait3A_33 = arith.constant 0 : i32
      %dma_wait3A_34 = tpu.memref_slice %arg2[%run_scoped3A, %dma_wait3A, %dma_wait3A_32, %dma_wait3A_33] : memref<2x32x40x125xi32, #tpu.memory_space<hbm>> -> memref<1x32x40x125xi32, #tpu.memory_space<hbm>>
      %dma_wait3A_35 = tpu.memref_squeeze %dma_wait3A_34 : memref<1x32x40x125xi32, #tpu.memory_space<hbm>> -> memref<32x40x125xi32, #tpu.memory_space<hbm>>
      %dma_wait3A_36 = arith.constant 0 : i32
      %dma_wait3A_37 = arith.constant 0 : i32
      %dma_wait3A_38 = tpu.memref_slice %dma_wait3A_35[%add3A, %dma_wait3A_36, %dma_wait3A_37] : memref<32x40x125xi32, #tpu.memory_space<hbm>> -> memref<1x40x125xi32, #tpu.memory_space<hbm>>
      %dma_wait3A_39 = tpu.memref_squeeze %dma_wait3A_38 : memref<1x40x125xi32, #tpu.memory_space<hbm>> -> memref<40x125xi32, #tpu.memory_space<hbm>>
      %dma_wait3A_40 = arith.constant 0 : i32
      %dma_wait3A_41 = arith.constant 0 : i32
      %dma_wait3A_42 = arith.constant 0 : i32
      %dma_wait3A_43 = tpu.memref_slice %arg2[%run_scoped3A, %dma_wait3A_40, %dma_wait3A_41, %dma_wait3A_42] : memref<2x32x40x125xi32, #tpu.memory_space<hbm>> -> memref<1x32x40x125xi32, #tpu.memory_space<hbm>>
      %dma_wait3A_44 = tpu.memref_squeeze %dma_wait3A_43 : memref<1x32x40x125xi32, #tpu.memory_space<hbm>> -> memref<32x40x125xi32, #tpu.memory_space<hbm>>
      %dma_wait3A_45 = arith.constant 0 : i32
      %dma_wait3A_46 = arith.constant 0 : i32
      %dma_wait3A_47 = tpu.memref_slice %dma_wait3A_44[%add3A, %dma_wait3A_45, %dma_wait3A_46] : memref<32x40x125xi32, #tpu.memory_space<hbm>> -> memref<1x40x125xi32, #tpu.memory_space<hbm>>
      %dma_wait3A_48 = tpu.memref_squeeze %dma_wait3A_47 : memref<1x40x125xi32, #tpu.memory_space<hbm>> -> memref<40x125xi32, #tpu.memory_space<hbm>>
      tpu.wait_dma2 semaphore(%run_scoped3A_14 : memref<!tpu.dma_semaphore, #tpu.memory_space<semaphore_mem>>) src(%dma_wait3A_48 : memref<40x125xi32, #tpu.memory_space<hbm>>) dst(%arg4 : memref<40x125xi32, #tpu.memory_space<vmem>>)
      tpu.yield
    }) : () -> ()
    %run_scoped3A_1 = arith.constant 1 : i32
    "tpu.region"() ({
      %run_scoped3A_14 = tpu.sem_alloc : memref<!tpu.dma_semaphore, #tpu.memory_space<semaphore_mem>>
      %dma_start3A = arith.constant 0 : i32
      %dma_start3A_15 = arith.constant 0 : i32
      %dma_start3A_16 = arith.constant 0 : i32
      %dma_start3A_17 = tpu.memref_slice %arg2[%run_scoped3A_1, %dma_start3A, %dma_start3A_15, %dma_start3A_16] : memref<2x32x40x125xi32, #tpu.memory_space<hbm>> -> memref<1x32x40x125xi32, #tpu.memory_space<hbm>>
      %dma_start3A_18 = tpu.memref_squeeze %dma_start3A_17 : memref<1x32x40x125xi32, #tpu.memory_space<hbm>> -> memref<32x40x125xi32, #tpu.memory_space<hbm>>
      %dma_start3A_19 = arith.constant 0 : i32
      %dma_start3A_20 = arith.constant 0 : i32
      %dma_start3A_21 = tpu.memref_slice %dma_start3A_18[%add3A, %dma_start3A_19, %dma_start3A_20] : memref<32x40x125xi32, #tpu.memory_space<hbm>> -> memref<1x40x125xi32, #tpu.memory_space<hbm>>
      %dma_start3A_22 = tpu.memref_squeeze %dma_start3A_21 : memref<1x40x125xi32, #tpu.memory_space<hbm>> -> memref<40x125xi32, #tpu.memory_space<hbm>>
      %dma_start3A_23 = arith.constant 0 : i32
      %dma_start3A_24 = arith.constant 0 : i32
      %dma_start3A_25 = arith.constant 0 : i32
      %dma_start3A_26 = tpu.memref_slice %arg2[%run_scoped3A_1, %dma_start3A_23, %dma_start3A_24, %dma_start3A_25] : memref<2x32x40x125xi32, #tpu.memory_space<hbm>> -> memref<1x32x40x125xi32, #tpu.memory_space<hbm>>
      %dma_start3A_27 = tpu.memref_squeeze %dma_start3A_26 : memref<1x32x40x125xi32, #tpu.memory_space<hbm>> -> memref<32x40x125xi32, #tpu.memory_space<hbm>>
      %dma_start3A_28 = arith.constant 0 : i32
      %dma_start3A_29 = arith.constant 0 : i32
      %dma_start3A_30 = tpu.memref_slice %dma_start3A_27[%add3A, %dma_start3A_28, %dma_start3A_29] : memref<32x40x125xi32, #tpu.memory_space<hbm>> -> memref<1x40x125xi32, #tpu.memory_space<hbm>>
      %dma_start3A_31 = tpu.memref_squeeze %dma_start3A_30 : memref<1x40x125xi32, #tpu.memory_space<hbm>> -> memref<40x125xi32, #tpu.memory_space<hbm>>
      tpu.enqueue_dma source(%dma_start3A_31 : memref<40x125xi32, #tpu.memory_space<hbm>>) target(%arg5 : memref<40x125xi32, #tpu.memory_space<vmem>>) target_semaphore(%run_scoped3A_14 : memref<!tpu.dma_semaphore, #tpu.memory_space<semaphore_mem>>)
      %dma_wait3A = arith.constant 0 : i32
      %dma_wait3A_32 = arith.constant 0 : i32
      %dma_wait3A_33 = arith.constant 0 : i32
      %dma_wait3A_34 = tpu.memref_slice %arg2[%run_scoped3A_1, %dma_wait3A, %dma_wait3A_32, %dma_wait3A_33] : memref<2x32x40x125xi32, #tpu.memory_space<hbm>> -> memref<1x32x40x125xi32, #tpu.memory_space<hbm>>
      %dma_wait3A_35 = tpu.memref_squeeze %dma_wait3A_34 : memref<1x32x40x125xi32, #tpu.memory_space<hbm>> -> memref<32x40x125xi32, #tpu.memory_space<hbm>>
      %dma_wait3A_36 = arith.constant 0 : i32
      %dma_wait3A_37 = arith.constant 0 : i32
      %dma_wait3A_38 = tpu.memref_slice %dma_wait3A_35[%add3A, %dma_wait3A_36, %dma_wait3A_37] : memref<32x40x125xi32, #tpu.memory_space<hbm>> -> memref<1x40x125xi32, #tpu.memory_space<hbm>>
      %dma_wait3A_39 = tpu.memref_squeeze %dma_wait3A_38 : memref<1x40x125xi32, #tpu.memory_space<hbm>> -> memref<40x125xi32, #tpu.memory_space<hbm>>
      %dma_wait3A_40 = arith.constant 0 : i32
      %dma_wait3A_41 = arith.constant 0 : i32
      %dma_wait3A_42 = arith.constant 0 : i32
      %dma_wait3A_43 = tpu.memref_slice %arg2[%run_scoped3A_1, %dma_wait3A_40, %dma_wait3A_41, %dma_wait3A_42] : memref<2x32x40x125xi32, #tpu.memory_space<hbm>> -> memref<1x32x40x125xi32, #tpu.memory_space<hbm>>
      %dma_wait3A_44 = tpu.memref_squeeze %dma_wait3A_43 : memref<1x32x40x125xi32, #tpu.memory_space<hbm>> -> memref<32x40x125xi32, #tpu.memory_space<hbm>>
      %dma_wait3A_45 = arith.constant 0 : i32
      %dma_wait3A_46 = arith.constant 0 : i32
      %dma_wait3A_47 = tpu.memref_slice %dma_wait3A_44[%add3A, %dma_wait3A_45, %dma_wait3A_46] : memref<32x40x125xi32, #tpu.memory_space<hbm>> -> memref<1x40x125xi32, #tpu.memory_space<hbm>>
      %dma_wait3A_48 = tpu.memref_squeeze %dma_wait3A_47 : memref<1x40x125xi32, #tpu.memory_space<hbm>> -> memref<40x125xi32, #tpu.memory_space<hbm>>
      tpu.wait_dma2 semaphore(%run_scoped3A_14 : memref<!tpu.dma_semaphore, #tpu.memory_space<semaphore_mem>>) src(%dma_wait3A_48 : memref<40x125xi32, #tpu.memory_space<hbm>>) dst(%arg5 : memref<40x125xi32, #tpu.memory_space<vmem>>)
      tpu.yield
    }) : () -> ()
    %broadcast_in_dim3A = arith.constant 0 : i32
    %broadcast_in_dim3A_2 = vector.broadcast %broadcast_in_dim3A : i32 to vector<16xi32>
    %scan3A = arith.constant 0 : i32
    %scan3A_3 = arith.constant 625 : i32
    %scan3A_4 = arith.addi %scan3A, %scan3A_3 : i32
    %scan3A_5 = arith.constant 1 : i32
    scf.for %scan3A_14 = %scan3A to %scan3A_4 step %scan3A_5  : i32 {
      %mul3A_15 = arith.constant 1 : i32
      %mul3A_16 = arith.muli %scan3A_14, %mul3A_15 : i32
      %add3A_17 = arith.constant 0 : i32
      %add3A_18 = arith.addi %add3A_17, %mul3A_16 : i32
      %mul3A_19 = arith.constant 16 : i32
      %mul3A_20 = arith.muli %add3A_18, %mul3A_19 : i32
      %swap3A = arith.index_cast %mul3A_20 : i32 to index
      %swap3A_21 = tpu.vector_load %arg6[%swap3A] {strides = array<i32>} : memref<10000xi32, #tpu.memory_space<vmem>>, vector<16xi32>,
      tpu.vector_store %arg6[%swap3A], %broadcast_in_dim3A_2 {strides = array<i32>} : memref<10000xi32, #tpu.memory_space<vmem>>, vector<16xi32>,
    }
    %scan3A_6 = arith.constant 625 : i32
    %iota3A = tpu.iota {dimensions = array<i32: 0>} : vector<16xi32>
    %ge3A = arith.constant 3 : i32
    %ge3A_7 = vector.broadcast %ge3A : i32 to vector<16xi32>
    %ge3A_8 = arith.cmpi sge, %iota3A, %ge3A_7 : vector<16xi32>
    %scan3A_9 = arith.constant 0 : i32
    %scan3A_10 = arith.constant 40 : i32
    %scan3A_11 = arith.addi %scan3A_9, %scan3A_10 : i32
    %scan3A_12 = arith.constant 1 : i32
    scf.for %scan3A_14 = %scan3A_9 to %scan3A_11 step %scan3A_12  : i32 {
      %mul3A_15 = arith.constant 1 : i32
      %mul3A_16 = arith.muli %scan3A_14, %mul3A_15 : i32
      %add3A_17 = arith.constant 0 : i32
      %add3A_18 = arith.addi %add3A_17, %mul3A_16 : i32
      %get3A = arith.index_cast %add3A_18 : i32 to index
      %get3A_19 = arith.constant 0 : index
      %get3A_20 = tpu.vector_load %arg4[%get3A, %get3A_19] {strides = array<i32>} : memref<40x125xi32, #tpu.memory_space<vmem>>, vector<16xi32>,
      %broadcast_in_dim3A_21 = arith.constant true
      %broadcast_in_dim3A_22 = vector.broadcast %broadcast_in_dim3A_21 : i1 to vector<16xi1>
      %unique3A, %unique3A_23 = tpu.scan_count mask(%broadcast_in_dim3A_22 : vector<16xi1>) value(%get3A_20 : vector<16xi32>) : vector<16xi1>, vector<16xi32>
      %mul3A_24 = arith.constant 1 : i32
      %mul3A_25 = vector.broadcast %mul3A_24 : i32 to vector<16xi32>
      %mul3A_26 = arith.muli %unique3A_23, %mul3A_25 : vector<16xi32>
      tpu.vector_store_idx %arg6[%get3A_20], %mul3A_26 masked %unique3A {add = true} : memref<10000xi32, #tpu.memory_space<vmem>>[vector<16xi32>], vector<16xi32>, vector<16xi1>
      %get3A_27 = arith.index_cast %add3A_18 : i32 to index
      %get3A_28 = arith.constant 0 : index
      %get3A_29 = tpu.vector_load %arg5[%get3A_27, %get3A_28] {strides = array<i32>} : memref<40x125xi32, #tpu.memory_space<vmem>>, vector<16xi32>,
      %broadcast_in_dim3A_30 = arith.constant true
      %broadcast_in_dim3A_31 = vector.broadcast %broadcast_in_dim3A_30 : i1 to vector<16xi1>
      %unique3A_32, %unique3A_33 = tpu.scan_count mask(%broadcast_in_dim3A_31 : vector<16xi1>) value(%get3A_29 : vector<16xi32>) : vector<16xi1>, vector<16xi32>
      %mul3A_34 = arith.constant 65536 : i32
      %mul3A_35 = vector.broadcast %mul3A_34 : i32 to vector<16xi32>
      %mul3A_36 = arith.muli %unique3A_33, %mul3A_35 : vector<16xi32>
      tpu.vector_store_idx %arg6[%get3A_29], %mul3A_36 masked %unique3A_32 {add = true} : memref<10000xi32, #tpu.memory_space<vmem>>[vector<16xi32>], vector<16xi32>, vector<16xi1>
      %get3A_37 = arith.index_cast %add3A_18 : i32 to index
      %get3A_38 = arith.constant 16 : index
      %get3A_39 = tpu.vector_load %arg4[%get3A_37, %get3A_38] {strides = array<i32>} : memref<40x125xi32, #tpu.memory_space<vmem>>, vector<16xi32>,
      %broadcast_in_dim3A_40 = arith.constant true
      %broadcast_in_dim3A_41 = vector.broadcast %broadcast_in_dim3A_40 : i1 to vector<16xi1>
      %unique3A_42, %unique3A_43 = tpu.scan_count mask(%broadcast_in_dim3A_41 : vector<16xi1>) value(%get3A_39 : vector<16xi32>) : vector<16xi1>, vector<16xi32>
      %mul3A_44 = arith.constant 1 : i32
      %mul3A_45 = vector.broadcast %mul3A_44 : i32 to vector<16xi32>
      %mul3A_46 = arith.muli %unique3A_43, %mul3A_45 : vector<16xi32>
      tpu.vector_store_idx %arg6[%get3A_39], %mul3A_46 masked %unique3A_42 {add = true} : memref<10000xi32, #tpu.memory_space<vmem>>[vector<16xi32>], vector<16xi32>, vector<16xi1>
      %get3A_47 = arith.index_cast %add3A_18 : i32 to index
      %get3A_48 = arith.constant 16 : index
      %get3A_49 = tpu.vector_load %arg5[%get3A_47, %get3A_48] {strides = array<i32>} : memref<40x125xi32, #tpu.memory_space<vmem>>, vector<16xi32>,
      %broadcast_in_dim3A_50 = arith.constant true
      %broadcast_in_dim3A_51 = vector.broadcast %broadcast_in_dim3A_50 : i1 to vector<16xi1>
      %unique3A_52, %unique3A_53 = tpu.scan_count mask(%broadcast_in_dim3A_51 : vector<16xi1>) value(%get3A_49 : vector<16xi32>) : vector<16xi1>, vector<16xi32>
      %mul3A_54 = arith.constant 65536 : i32
      %mul3A_55 = vector.broadcast %mul3A_54 : i32 to vector<16xi32>
      %mul3A_56 = arith.muli %unique3A_53, %mul3A_55 : vector<16xi32>
      tpu.vector_store_idx %arg6[%get3A_49], %mul3A_56 masked %unique3A_52 {add = true} : memref<10000xi32, #tpu.memory_space<vmem>>[vector<16xi32>], vector<16xi32>, vector<16xi1>
      %get3A_57 = arith.index_cast %add3A_18 : i32 to index
      %get3A_58 = arith.constant 32 : index
      %get3A_59 = tpu.vector_load %arg4[%get3A_57, %get3A_58] {strides = array<i32>} : memref<40x125xi32, #tpu.memory_space<vmem>>, vector<16xi32>,
      %broadcast_in_dim3A_60 = arith.constant true
      %broadcast_in_dim3A_61 = vector.broadcast %broadcast_in_dim3A_60 : i1 to vector<16xi1>
      %unique3A_62, %unique3A_63 = tpu.scan_count mask(%broadcast_in_dim3A_61 : vector<16xi1>) value(%get3A_59 : vector<16xi32>) : vector<16xi1>, vector<16xi32>
      %mul3A_64 = arith.constant 1 : i32
      %mul3A_65 = vector.broadcast %mul3A_64 : i32 to vector<16xi32>
      %mul3A_66 = arith.muli %unique3A_63, %mul3A_65 : vector<16xi32>
      tpu.vector_store_idx %arg6[%get3A_59], %mul3A_66 masked %unique3A_62 {add = true} : memref<10000xi32, #tpu.memory_space<vmem>>[vector<16xi32>], vector<16xi32>, vector<16xi1>
      %get3A_67 = arith.index_cast %add3A_18 : i32 to index
      %get3A_68 = arith.constant 32 : index
      %get3A_69 = tpu.vector_load %arg5[%get3A_67, %get3A_68] {strides = array<i32>} : memref<40x125xi32, #tpu.memory_space<vmem>>, vector<16xi32>,
      %broadcast_in_dim3A_70 = arith.constant true
      %broadcast_in_dim3A_71 = vector.broadcast %broadcast_in_dim3A_70 : i1 to vector<16xi1>
      %unique3A_72, %unique3A_73 = tpu.scan_count mask(%broadcast_in_dim3A_71 : vector<16xi1>) value(%get3A_69 : vector<16xi32>) : vector<16xi1>, vector<16xi32>
      %mul3A_74 = arith.constant 65536 : i32
      %mul3A_75 = vector.broadcast %mul3A_74 : i32 to vector<16xi32>
      %mul3A_76 = arith.muli %unique3A_73, %mul3A_75 : vector<16xi32>
      tpu.vector_store_idx %arg6[%get3A_69], %mul3A_76 masked %unique3A_72 {add = true} : memref<10000xi32, #tpu.memory_space<vmem>>[vector<16xi32>], vector<16xi32>, vector<16xi1>
      %get3A_77 = arith.index_cast %add3A_18 : i32 to index
      %get3A_78 = arith.constant 48 : index
      %get3A_79 = tpu.vector_load %arg4[%get3A_77, %get3A_78] {strides = array<i32>} : memref<40x125xi32, #tpu.memory_space<vmem>>, vector<16xi32>,
      %broadcast_in_dim3A_80 = arith.constant true
      %broadcast_in_dim3A_81 = vector.broadcast %broadcast_in_dim3A_80 : i1 to vector<16xi1>
      %unique3A_82, %unique3A_83 = tpu.scan_count mask(%broadcast_in_dim3A_81 : vector<16xi1>) value(%get3A_79 : vector<16xi32>) : vector<16xi1>, vector<16xi32>
      %mul3A_84 = arith.constant 1 : i32
      %mul3A_85 = vector.broadcast %mul3A_84 : i32 to vector<16xi32>
      %mul3A_86 = arith.muli %unique3A_83, %mul3A_85 : vector<16xi32>
      tpu.vector_store_idx %arg6[%get3A_79], %mul3A_86 masked %unique3A_82 {add = true} : memref<10000xi32, #tpu.memory_space<vmem>>[vector<16xi32>], vector<16xi32>, vector<16xi1>
      %get3A_87 = arith.index_cast %add3A_18 : i32 to index
      %get3A_88 = arith.constant 48 : index
      %get3A_89 = tpu.vector_load %arg5[%get3A_87, %get3A_88] {strides = array<i32>} : memref<40x125xi32, #tpu.memory_space<vmem>>, vector<16xi32>,
      %broadcast_in_dim3A_90 = arith.constant true
      %broadcast_in_dim3A_91 = vector.broadcast %broadcast_in_dim3A_90 : i1 to vector<16xi1>
      %unique3A_92, %unique3A_93 = tpu.scan_count mask(%broadcast_in_dim3A_91 : vector<16xi1>) value(%get3A_89 : vector<16xi32>) : vector<16xi1>, vector<16xi32>
      %mul3A_94 = arith.constant 65536 : i32
      %mul3A_95 = vector.broadcast %mul3A_94 : i32 to vector<16xi32>
      %mul3A_96 = arith.muli %unique3A_93, %mul3A_95 : vector<16xi32>
      tpu.vector_store_idx %arg6[%get3A_89], %mul3A_96 masked %unique3A_92 {add = true} : memref<10000xi32, #tpu.memory_space<vmem>>[vector<16xi32>], vector<16xi32>, vector<16xi1>
      %get3A_97 = arith.index_cast %add3A_18 : i32 to index
      %get3A_98 = arith.constant 64 : index
      %get3A_99 = tpu.vector_load %arg4[%get3A_97, %get3A_98] {strides = array<i32>} : memref<40x125xi32, #tpu.memory_space<vmem>>, vector<16xi32>,
      %broadcast_in_dim3A_100 = arith.constant true
      %broadcast_in_dim3A_101 = vector.broadcast %broadcast_in_dim3A_100 : i1 to vector<16xi1>
      %unique3A_102, %unique3A_103 = tpu.scan_count mask(%broadcast_in_dim3A_101 : vector<16xi1>) value(%get3A_99 : vector<16xi32>) : vector<16xi1>, vector<16xi32>
      %mul3A_104 = arith.constant 1 : i32
      %mul3A_105 = vector.broadcast %mul3A_104 : i32 to vector<16xi32>
      %mul3A_106 = arith.muli %unique3A_103, %mul3A_105 : vector<16xi32>
      tpu.vector_store_idx %arg6[%get3A_99], %mul3A_106 masked %unique3A_102 {add = true} : memref<10000xi32, #tpu.memory_space<vmem>>[vector<16xi32>], vector<16xi32>, vector<16xi1>
      %get3A_107 = arith.index_cast %add3A_18 : i32 to index
      %get3A_108 = arith.constant 64 : index
      %get3A_109 = tpu.vector_load %arg5[%get3A_107, %get3A_108] {strides = array<i32>} : memref<40x125xi32, #tpu.memory_space<vmem>>, vector<16xi32>,
      %broadcast_in_dim3A_110 = arith.constant true
      %broadcast_in_dim3A_111 = vector.broadcast %broadcast_in_dim3A_110 : i1 to vector<16xi1>
      %unique3A_112, %unique3A_113 = tpu.scan_count mask(%broadcast_in_dim3A_111 : vector<16xi1>) value(%get3A_109 : vector<16xi32>) : vector<16xi1>, vector<16xi32>
      %mul3A_114 = arith.constant 65536 : i32
      %mul3A_115 = vector.broadcast %mul3A_114 : i32 to vector<16xi32>
      %mul3A_116 = arith.muli %unique3A_113, %mul3A_115 : vector<16xi32>
      tpu.vector_store_idx %arg6[%get3A_109], %mul3A_116 masked %unique3A_112 {add = true} : memref<10000xi32, #tpu.memory_space<vmem>>[vector<16xi32>], vector<16xi32>, vector<16xi1>
      %get3A_117 = arith.index_cast %add3A_18 : i32 to index
      %get3A_118 = arith.constant 80 : index
      %get3A_119 = tpu.vector_load %arg4[%get3A_117, %get3A_118] {strides = array<i32>} : memref<40x125xi32, #tpu.memory_space<vmem>>, vector<16xi32>,
      %broadcast_in_dim3A_120 = arith.constant true
      %broadcast_in_dim3A_121 = vector.broadcast %broadcast_in_dim3A_120 : i1 to vector<16xi1>
      %unique3A_122, %unique3A_123 = tpu.scan_count mask(%broadcast_in_dim3A_121 : vector<16xi1>) value(%get3A_119 : vector<16xi32>) : vector<16xi1>, vector<16xi32>
      %mul3A_124 = arith.constant 1 : i32
      %mul3A_125 = vector.broadcast %mul3A_124 : i32 to vector<16xi32>
      %mul3A_126 = arith.muli %unique3A_123, %mul3A_125 : vector<16xi32>
      tpu.vector_store_idx %arg6[%get3A_119], %mul3A_126 masked %unique3A_122 {add = true} : memref<10000xi32, #tpu.memory_space<vmem>>[vector<16xi32>], vector<16xi32>, vector<16xi1>
      %get3A_127 = arith.index_cast %add3A_18 : i32 to index
      %get3A_128 = arith.constant 80 : index
      %get3A_129 = tpu.vector_load %arg5[%get3A_127, %get3A_128] {strides = array<i32>} : memref<40x125xi32, #tpu.memory_space<vmem>>, vector<16xi32>,
      %broadcast_in_dim3A_130 = arith.constant true
      %broadcast_in_dim3A_131 = vector.broadcast %broadcast_in_dim3A_130 : i1 to vector<16xi1>
      %unique3A_132, %unique3A_133 = tpu.scan_count mask(%broadcast_in_dim3A_131 : vector<16xi1>) value(%get3A_129 : vector<16xi32>) : vector<16xi1>, vector<16xi32>
      %mul3A_134 = arith.constant 65536 : i32
      %mul3A_135 = vector.broadcast %mul3A_134 : i32 to vector<16xi32>
      %mul3A_136 = arith.muli %unique3A_133, %mul3A_135 : vector<16xi32>
      tpu.vector_store_idx %arg6[%get3A_129], %mul3A_136 masked %unique3A_132 {add = true} : memref<10000xi32, #tpu.memory_space<vmem>>[vector<16xi32>], vector<16xi32>, vector<16xi1>
      %get3A_137 = arith.index_cast %add3A_18 : i32 to index
      %get3A_138 = arith.constant 96 : index
      %get3A_139 = tpu.vector_load %arg4[%get3A_137, %get3A_138] {strides = array<i32>} : memref<40x125xi32, #tpu.memory_space<vmem>>, vector<16xi32>,
      %broadcast_in_dim3A_140 = arith.constant true
      %broadcast_in_dim3A_141 = vector.broadcast %broadcast_in_dim3A_140 : i1 to vector<16xi1>
      %unique3A_142, %unique3A_143 = tpu.scan_count mask(%broadcast_in_dim3A_141 : vector<16xi1>) value(%get3A_139 : vector<16xi32>) : vector<16xi1>, vector<16xi32>
      %mul3A_144 = arith.constant 1 : i32
      %mul3A_145 = vector.broadcast %mul3A_144 : i32 to vector<16xi32>
      %mul3A_146 = arith.muli %unique3A_143, %mul3A_145 : vector<16xi32>
      tpu.vector_store_idx %arg6[%get3A_139], %mul3A_146 masked %unique3A_142 {add = true} : memref<10000xi32, #tpu.memory_space<vmem>>[vector<16xi32>], vector<16xi32>, vector<16xi1>
      %get3A_147 = arith.index_cast %add3A_18 : i32 to index
      %get3A_148 = arith.constant 96 : index
      %get3A_149 = tpu.vector_load %arg5[%get3A_147, %get3A_148] {strides = array<i32>} : memref<40x125xi32, #tpu.memory_space<vmem>>, vector<16xi32>,
      %broadcast_in_dim3A_150 = arith.constant true
      %broadcast_in_dim3A_151 = vector.broadcast %broadcast_in_dim3A_150 : i1 to vector<16xi1>
      %unique3A_152, %unique3A_153 = tpu.scan_count mask(%broadcast_in_dim3A_151 : vector<16xi1>) value(%get3A_149 : vector<16xi32>) : vector<16xi1>, vector<16xi32>
      %mul3A_154 = arith.constant 65536 : i32
      %mul3A_155 = vector.broadcast %mul3A_154 : i32 to vector<16xi32>
      %mul3A_156 = arith.muli %unique3A_153, %mul3A_155 : vector<16xi32>
      tpu.vector_store_idx %arg6[%get3A_149], %mul3A_156 masked %unique3A_152 {add = true} : memref<10000xi32, #tpu.memory_space<vmem>>[vector<16xi32>], vector<16xi32>, vector<16xi1>
      %get3A_157 = arith.index_cast %add3A_18 : i32 to index
      %get3A_158 = arith.constant 109 : index
      %get3A_159 = tpu.vector_load %arg4[%get3A_157, %get3A_158] {strides = array<i32>} : memref<40x125xi32, #tpu.memory_space<vmem>>, vector<16xi32>,
      %unique3A_160, %unique3A_161 = tpu.scan_count mask(%ge3A_8 : vector<16xi1>) value(%get3A_159 : vector<16xi32>) : vector<16xi1>, vector<16xi32>
      %and3A = arith.andi %unique3A_160, %ge3A_8 : vector<16xi1>
      %mul3A_162 = arith.constant 1 : i32
      %mul3A_163 = vector.broadcast %mul3A_162 : i32 to vector<16xi32>
      %mul3A_164 = arith.muli %unique3A_161, %mul3A_163 : vector<16xi32>
      tpu.vector_store_idx %arg6[%get3A_159], %mul3A_164 masked %and3A {add = true} : memref<10000xi32, #tpu.memory_space<vmem>>[vector<16xi32>], vector<16xi32>, vector<16xi1>
      %get3A_165 = arith.index_cast %add3A_18 : i32 to index
      %get3A_166 = arith.constant 109 : index
      %get3A_167 = tpu.vector_load %arg5[%get3A_165, %get3A_166] {strides = array<i32>} : memref<40x125xi32, #tpu.memory_space<vmem>>, vector<16xi32>,
      %unique3A_168, %unique3A_169 = tpu.scan_count mask(%ge3A_8 : vector<16xi1>) value(%get3A_167 : vector<16xi32>) : vector<16xi1>, vector<16xi32>
      %and3A_170 = arith.andi %unique3A_168, %ge3A_8 : vector<16xi1>
      %mul3A_171 = arith.constant 65536 : i32
      %mul3A_172 = vector.broadcast %mul3A_171 : i32 to vector<16xi32>
      %mul3A_173 = arith.muli %unique3A_169, %mul3A_172 : vector<16xi32>
      tpu.vector_store_idx %arg6[%get3A_167], %mul3A_173 masked %and3A_170 {add = true} : memref<10000xi32, #tpu.memory_space<vmem>>[vector<16xi32>], vector<16xi32>, vector<16xi1>
    }
    %scan3A_13 = arith.constant 40 : i32
    "tpu.region"() ({
      %run_scoped3A_14 = tpu.sem_alloc : memref<!tpu.dma_semaphore, #tpu.memory_space<semaphore_mem>>
      %dma_start3A = arith.constant 0 : i32
      %dma_start3A_15 = tpu.memref_slice %arg3[%add3A, %dma_start3A] : memref<32x10000xi32, #tpu.memory_space<hbm>> -> memref<1x10000xi32, #tpu.memory_space<hbm>>
      %dma_start3A_16 = tpu.memref_squeeze %dma_start3A_15 : memref<1x10000xi32, #tpu.memory_space<hbm>> -> memref<10000xi32, #tpu.memory_space<hbm>>
      %dma_start3A_17 = arith.constant 0 : i32
      %dma_start3A_18 = tpu.memref_slice %arg3[%add3A, %dma_start3A_17] : memref<32x10000xi32, #tpu.memory_space<hbm>> -> memref<1x10000xi32, #tpu.memory_space<hbm>>
      %dma_start3A_19 = tpu.memref_squeeze %dma_start3A_18 : memref<1x10000xi32, #tpu.memory_space<hbm>> -> memref<10000xi32, #tpu.memory_space<hbm>>
      tpu.enqueue_dma source(%arg6 : memref<10000xi32, #tpu.memory_space<vmem>>) target(%dma_start3A_19 : memref<10000xi32, #tpu.memory_space<hbm>>) target_semaphore(%run_scoped3A_14 : memref<!tpu.dma_semaphore, #tpu.memory_space<semaphore_mem>>)
      %dma_wait3A = arith.constant 0 : i32
      %dma_wait3A_20 = tpu.memref_slice %arg3[%add3A, %dma_wait3A] : memref<32x10000xi32, #tpu.memory_space<hbm>> -> memref<1x10000xi32, #tpu.memory_space<hbm>>
      %dma_wait3A_21 = tpu.memref_squeeze %dma_wait3A_20 : memref<1x10000xi32, #tpu.memory_space<hbm>> -> memref<10000xi32, #tpu.memory_space<hbm>>
      %dma_wait3A_22 = arith.constant 0 : i32
      %dma_wait3A_23 = tpu.memref_slice %arg3[%add3A, %dma_wait3A_22] : memref<32x10000xi32, #tpu.memory_space<hbm>> -> memref<1x10000xi32, #tpu.memory_space<hbm>>
      %dma_wait3A_24 = tpu.memref_squeeze %dma_wait3A_23 : memref<1x10000xi32, #tpu.memory_space<hbm>> -> memref<10000xi32, #tpu.memory_space<hbm>>
      tpu.wait_dma2 semaphore(%run_scoped3A_14 : memref<!tpu.dma_semaphore, #tpu.memory_space<semaphore_mem>>) src(%arg6 : memref<10000xi32, #tpu.memory_space<vmem>>) dst(%dma_wait3A_24 : memref<10000xi32, #tpu.memory_space<hbm>>)
      tpu.yield
    }) : () -> ()
    return
  }
}

#map = affine_map<(d0, d1) -> (0, 0)>
#map1 = affine_map<(d0, d1) -> (0, 0, 0, 0)>
#map2 = affine_map<(d0, d1) -> (0, 0, 0)>
module attributes {stable_mosaic.version = 14 : i64} {
  func.func @_msg_body(%arg0: i32, %arg1: i32, %arg2: memref<10000x32xbf16, #tpu.memory_space<hbm>>, %arg3: memref<2x32x40x125xi32, #tpu.memory_space<hbm>>, %arg4: memref<640x32xbf16, #tpu.memory_space<hbm>>, %arg5: memref<2x10000x32xbf16, #tpu.memory_space<hbm>>, %arg6: memref<40x125xi32, #tpu.memory_space<vmem>>, %arg7: memref<40x125xi32, #tpu.memory_space<vmem>>, %arg8: memref<1000x32xbf16, #tpu.memory_space<vmem>>, %arg9: memref<10000x32xbf16, #tpu.memory_space<vmem_shared>>, %arg10: memref<!tpu.dma_semaphore, #tpu.memory_space<semaphore_mem>>, %arg11: memref<!tpu.dma_semaphore, #tpu.memory_space<semaphore_mem>>, %arg12: memref<!tpu.dma_semaphore, #tpu.memory_space<semaphore_mem>>, %arg13: memref<!tpu.dma_semaphore, #tpu.memory_space<semaphore_mem>>, %arg14: memref<!tpu.dma_semaphore, #tpu.memory_space<semaphore_mem>>, %arg15: memref<!tpu.dma_semaphore, #tpu.memory_space<semaphore_mem>>, %arg16: memref<!tpu.dma_semaphore, #tpu.memory_space<semaphore_mem>>, %arg17: memref<!tpu.dma_semaphore, #tpu.memory_space<semaphore_mem>>, %arg18: memref<!tpu.dma_semaphore, #tpu.memory_space<semaphore_mem>>, %arg19: memref<!tpu.dma_semaphore, #tpu.memory_space<semaphore_mem>>, %arg20: memref<!tpu.dma_semaphore, #tpu.memory_space<semaphore_mem>>, %arg21: memref<!tpu.dma_semaphore, #tpu.memory_space<semaphore_mem>>, %arg22: memref<!tpu.dma_semaphore, #tpu.memory_space<semaphore_mem>>, %arg23: memref<!tpu.dma_semaphore, #tpu.memory_space<semaphore_mem>>, %arg24: memref<!tpu.dma_semaphore, #tpu.memory_space<semaphore_mem>>, %arg25: memref<!tpu.dma_semaphore, #tpu.memory_space<semaphore_mem>>) attributes {dimension_semantics = [#tpu.dimension_semantics<core_parallel>, #tpu.dimension_semantics<subcore_parallel>], iteration_bounds = array<i64: 2, 16>, scalar_prefetch = 0 : i64, scratch_operands = 20 : i64, tpu.core_type = #tpu.core_type<sc_vector_subcore>, window_params = [{transform_indices = #map}, {transform_indices = #map1}, {transform_indices = #map}, {transform_indices = #map2}]} {
    %mul3A = arith.constant 16 : i32
    %mul3A_0 = arith.muli %arg0, %mul3A : i32
    %add3A = arith.addi %mul3A_0, %arg1 : i32
    %run_scoped3A = arith.constant 0 : i32
    "tpu.region"() ({
      %run_scoped3A_128 = tpu.sem_alloc : memref<!tpu.dma_semaphore, #tpu.memory_space<semaphore_mem>>
      %dma_start3A_129 = arith.constant 0 : i32
      %dma_start3A_130 = arith.constant 0 : i32
      %dma_start3A_131 = arith.constant 0 : i32
      %dma_start3A_132 = tpu.memref_slice %arg3[%run_scoped3A, %dma_start3A_129, %dma_start3A_130, %dma_start3A_131] : memref<2x32x40x125xi32, #tpu.memory_space<hbm>> -> memref<1x32x40x125xi32, #tpu.memory_space<hbm>>
      %dma_start3A_133 = tpu.memref_squeeze %dma_start3A_132 : memref<1x32x40x125xi32, #tpu.memory_space<hbm>> -> memref<32x40x125xi32, #tpu.memory_space<hbm>>
      %dma_start3A_134 = arith.constant 0 : i32
      %dma_start3A_135 = arith.constant 0 : i32
      %dma_start3A_136 = tpu.memref_slice %dma_start3A_133[%add3A, %dma_start3A_134, %dma_start3A_135] : memref<32x40x125xi32, #tpu.memory_space<hbm>> -> memref<1x40x125xi32, #tpu.memory_space<hbm>>
      %dma_start3A_137 = tpu.memref_squeeze %dma_start3A_136 : memref<1x40x125xi32, #tpu.memory_space<hbm>> -> memref<40x125xi32, #tpu.memory_space<hbm>>
      %dma_start3A_138 = arith.constant 0 : i32
      %dma_start3A_139 = arith.constant 0 : i32
      %dma_start3A_140 = arith.constant 0 : i32
      %dma_start3A_141 = tpu.memref_slice %arg3[%run_scoped3A, %dma_start3A_138, %dma_start3A_139, %dma_start3A_140] : memref<2x32x40x125xi32, #tpu.memory_space<hbm>> -> memref<1x32x40x125xi32, #tpu.memory_space<hbm>>
      %dma_start3A_142 = tpu.memref_squeeze %dma_start3A_141 : memref<1x32x40x125xi32, #tpu.memory_space<hbm>> -> memref<32x40x125xi32, #tpu.memory_space<hbm>>
      %dma_start3A_143 = arith.constant 0 : i32
      %dma_start3A_144 = arith.constant 0 : i32
      %dma_start3A_145 = tpu.memref_slice %dma_start3A_142[%add3A, %dma_start3A_143, %dma_start3A_144] : memref<32x40x125xi32, #tpu.memory_space<hbm>> -> memref<1x40x125xi32, #tpu.memory_space<hbm>>
      %dma_start3A_146 = tpu.memref_squeeze %dma_start3A_145 : memref<1x40x125xi32, #tpu.memory_space<hbm>> -> memref<40x125xi32, #tpu.memory_space<hbm>>
      tpu.enqueue_dma source(%dma_start3A_146 : memref<40x125xi32, #tpu.memory_space<hbm>>) target(%arg6 : memref<40x125xi32, #tpu.memory_space<vmem>>) target_semaphore(%run_scoped3A_128 : memref<!tpu.dma_semaphore, #tpu.memory_space<semaphore_mem>>)
      %dma_wait3A_147 = arith.constant 0 : i32
      %dma_wait3A_148 = arith.constant 0 : i32
      %dma_wait3A_149 = arith.constant 0 : i32
      %dma_wait3A_150 = tpu.memref_slice %arg3[%run_scoped3A, %dma_wait3A_147, %dma_wait3A_148, %dma_wait3A_149] : memref<2x32x40x125xi32, #tpu.memory_space<hbm>> -> memref<1x32x40x125xi32, #tpu.memory_space<hbm>>
      %dma_wait3A_151 = tpu.memref_squeeze %dma_wait3A_150 : memref<1x32x40x125xi32, #tpu.memory_space<hbm>> -> memref<32x40x125xi32, #tpu.memory_space<hbm>>
      %dma_wait3A_152 = arith.constant 0 : i32
      %dma_wait3A_153 = arith.constant 0 : i32
      %dma_wait3A_154 = tpu.memref_slice %dma_wait3A_151[%add3A, %dma_wait3A_152, %dma_wait3A_153] : memref<32x40x125xi32, #tpu.memory_space<hbm>> -> memref<1x40x125xi32, #tpu.memory_space<hbm>>
      %dma_wait3A_155 = tpu.memref_squeeze %dma_wait3A_154 : memref<1x40x125xi32, #tpu.memory_space<hbm>> -> memref<40x125xi32, #tpu.memory_space<hbm>>
      %dma_wait3A_156 = arith.constant 0 : i32
      %dma_wait3A_157 = arith.constant 0 : i32
      %dma_wait3A_158 = arith.constant 0 : i32
      %dma_wait3A_159 = tpu.memref_slice %arg3[%run_scoped3A, %dma_wait3A_156, %dma_wait3A_157, %dma_wait3A_158] : memref<2x32x40x125xi32, #tpu.memory_space<hbm>> -> memref<1x32x40x125xi32, #tpu.memory_space<hbm>>
      %dma_wait3A_160 = tpu.memref_squeeze %dma_wait3A_159 : memref<1x32x40x125xi32, #tpu.memory_space<hbm>> -> memref<32x40x125xi32, #tpu.memory_space<hbm>>
      %dma_wait3A_161 = arith.constant 0 : i32
      %dma_wait3A_162 = arith.constant 0 : i32
      %dma_wait3A_163 = tpu.memref_slice %dma_wait3A_160[%add3A, %dma_wait3A_161, %dma_wait3A_162] : memref<32x40x125xi32, #tpu.memory_space<hbm>> -> memref<1x40x125xi32, #tpu.memory_space<hbm>>
      %dma_wait3A_164 = tpu.memref_squeeze %dma_wait3A_163 : memref<1x40x125xi32, #tpu.memory_space<hbm>> -> memref<40x125xi32, #tpu.memory_space<hbm>>
      tpu.wait_dma2 semaphore(%run_scoped3A_128 : memref<!tpu.dma_semaphore, #tpu.memory_space<semaphore_mem>>) src(%dma_wait3A_164 : memref<40x125xi32, #tpu.memory_space<hbm>>) dst(%arg6 : memref<40x125xi32, #tpu.memory_space<vmem>>)
      tpu.yield
    }) : () -> ()
    %run_scoped3A_1 = arith.constant 1 : i32
    "tpu.region"() ({
      %run_scoped3A_128 = tpu.sem_alloc : memref<!tpu.dma_semaphore, #tpu.memory_space<semaphore_mem>>
      %dma_start3A_129 = arith.constant 0 : i32
      %dma_start3A_130 = arith.constant 0 : i32
      %dma_start3A_131 = arith.constant 0 : i32
      %dma_start3A_132 = tpu.memref_slice %arg3[%run_scoped3A_1, %dma_start3A_129, %dma_start3A_130, %dma_start3A_131] : memref<2x32x40x125xi32, #tpu.memory_space<hbm>> -> memref<1x32x40x125xi32, #tpu.memory_space<hbm>>
      %dma_start3A_133 = tpu.memref_squeeze %dma_start3A_132 : memref<1x32x40x125xi32, #tpu.memory_space<hbm>> -> memref<32x40x125xi32, #tpu.memory_space<hbm>>
      %dma_start3A_134 = arith.constant 0 : i32
      %dma_start3A_135 = arith.constant 0 : i32
      %dma_start3A_136 = tpu.memref_slice %dma_start3A_133[%add3A, %dma_start3A_134, %dma_start3A_135] : memref<32x40x125xi32, #tpu.memory_space<hbm>> -> memref<1x40x125xi32, #tpu.memory_space<hbm>>
      %dma_start3A_137 = tpu.memref_squeeze %dma_start3A_136 : memref<1x40x125xi32, #tpu.memory_space<hbm>> -> memref<40x125xi32, #tpu.memory_space<hbm>>
      %dma_start3A_138 = arith.constant 0 : i32
      %dma_start3A_139 = arith.constant 0 : i32
      %dma_start3A_140 = arith.constant 0 : i32
      %dma_start3A_141 = tpu.memref_slice %arg3[%run_scoped3A_1, %dma_start3A_138, %dma_start3A_139, %dma_start3A_140] : memref<2x32x40x125xi32, #tpu.memory_space<hbm>> -> memref<1x32x40x125xi32, #tpu.memory_space<hbm>>
      %dma_start3A_142 = tpu.memref_squeeze %dma_start3A_141 : memref<1x32x40x125xi32, #tpu.memory_space<hbm>> -> memref<32x40x125xi32, #tpu.memory_space<hbm>>
      %dma_start3A_143 = arith.constant 0 : i32
      %dma_start3A_144 = arith.constant 0 : i32
      %dma_start3A_145 = tpu.memref_slice %dma_start3A_142[%add3A, %dma_start3A_143, %dma_start3A_144] : memref<32x40x125xi32, #tpu.memory_space<hbm>> -> memref<1x40x125xi32, #tpu.memory_space<hbm>>
      %dma_start3A_146 = tpu.memref_squeeze %dma_start3A_145 : memref<1x40x125xi32, #tpu.memory_space<hbm>> -> memref<40x125xi32, #tpu.memory_space<hbm>>
      tpu.enqueue_dma source(%dma_start3A_146 : memref<40x125xi32, #tpu.memory_space<hbm>>) target(%arg7 : memref<40x125xi32, #tpu.memory_space<vmem>>) target_semaphore(%run_scoped3A_128 : memref<!tpu.dma_semaphore, #tpu.memory_space<semaphore_mem>>)
      %dma_wait3A_147 = arith.constant 0 : i32
      %dma_wait3A_148 = arith.constant 0 : i32
      %dma_wait3A_149 = arith.constant 0 : i32
      %dma_wait3A_150 = tpu.memref_slice %arg3[%run_scoped3A_1, %dma_wait3A_147, %dma_wait3A_148, %dma_wait3A_149] : memref<2x32x40x125xi32, #tpu.memory_space<hbm>> -> memref<1x32x40x125xi32, #tpu.memory_space<hbm>>
      %dma_wait3A_151 = tpu.memref_squeeze %dma_wait3A_150 : memref<1x32x40x125xi32, #tpu.memory_space<hbm>> -> memref<32x40x125xi32, #tpu.memory_space<hbm>>
      %dma_wait3A_152 = arith.constant 0 : i32
      %dma_wait3A_153 = arith.constant 0 : i32
      %dma_wait3A_154 = tpu.memref_slice %dma_wait3A_151[%add3A, %dma_wait3A_152, %dma_wait3A_153] : memref<32x40x125xi32, #tpu.memory_space<hbm>> -> memref<1x40x125xi32, #tpu.memory_space<hbm>>
      %dma_wait3A_155 = tpu.memref_squeeze %dma_wait3A_154 : memref<1x40x125xi32, #tpu.memory_space<hbm>> -> memref<40x125xi32, #tpu.memory_space<hbm>>
      %dma_wait3A_156 = arith.constant 0 : i32
      %dma_wait3A_157 = arith.constant 0 : i32
      %dma_wait3A_158 = arith.constant 0 : i32
      %dma_wait3A_159 = tpu.memref_slice %arg3[%run_scoped3A_1, %dma_wait3A_156, %dma_wait3A_157, %dma_wait3A_158] : memref<2x32x40x125xi32, #tpu.memory_space<hbm>> -> memref<1x32x40x125xi32, #tpu.memory_space<hbm>>
      %dma_wait3A_160 = tpu.memref_squeeze %dma_wait3A_159 : memref<1x32x40x125xi32, #tpu.memory_space<hbm>> -> memref<32x40x125xi32, #tpu.memory_space<hbm>>
      %dma_wait3A_161 = arith.constant 0 : i32
      %dma_wait3A_162 = arith.constant 0 : i32
      %dma_wait3A_163 = tpu.memref_slice %dma_wait3A_160[%add3A, %dma_wait3A_161, %dma_wait3A_162] : memref<32x40x125xi32, #tpu.memory_space<hbm>> -> memref<1x40x125xi32, #tpu.memory_space<hbm>>
      %dma_wait3A_164 = tpu.memref_squeeze %dma_wait3A_163 : memref<1x40x125xi32, #tpu.memory_space<hbm>> -> memref<40x125xi32, #tpu.memory_space<hbm>>
      tpu.wait_dma2 semaphore(%run_scoped3A_128 : memref<!tpu.dma_semaphore, #tpu.memory_space<semaphore_mem>>) src(%dma_wait3A_164 : memref<40x125xi32, #tpu.memory_space<hbm>>) dst(%arg7 : memref<40x125xi32, #tpu.memory_space<vmem>>)
      tpu.yield
    }) : () -> ()
    %mul3A_2 = arith.constant 640 : i32
    %mul3A_3 = arith.muli %arg1, %mul3A_2 : i32
    %min3A = arith.constant 9360 : i32
    %min3A_4 = arith.minsi %mul3A_3, %min3A : i32
    %multiple_of3A = tpu.assume_multiple %min3A_4, 8 : i32
    "tpu.region"() ({
      %run_scoped3A_128 = tpu.sem_alloc : memref<!tpu.dma_semaphore, #tpu.memory_space<semaphore_mem>>
      %dma_start3A_129 = arith.constant 0 : i32
      %dma_start3A_130 = tpu.memref_slice %arg9[%multiple_of3A, %dma_start3A_129] : memref<10000x32xbf16, #tpu.memory_space<vmem_shared>> -> memref<640x32xbf16, #tpu.memory_space<vmem_shared>>
      tpu.enqueue_dma source(%arg4 : memref<640x32xbf16, #tpu.memory_space<hbm>>) target(%dma_start3A_130 : memref<640x32xbf16, #tpu.memory_space<vmem_shared>>) target_semaphore(%run_scoped3A_128 : memref<!tpu.dma_semaphore, #tpu.memory_space<semaphore_mem>>)
      %dma_wait3A_131 = arith.constant 0 : i32
      %dma_wait3A_132 = tpu.memref_slice %arg9[%multiple_of3A, %dma_wait3A_131] : memref<10000x32xbf16, #tpu.memory_space<vmem_shared>> -> memref<640x32xbf16, #tpu.memory_space<vmem_shared>>
      tpu.wait_dma2 semaphore(%run_scoped3A_128 : memref<!tpu.dma_semaphore, #tpu.memory_space<semaphore_mem>>) src(%arg4 : memref<640x32xbf16, #tpu.memory_space<hbm>>) dst(%dma_wait3A_132 : memref<640x32xbf16, #tpu.memory_space<vmem_shared>>)
      tpu.yield
    }) : () -> ()
    %barrier3A = arith.constant 0 : index
    tpu.barrier barrier_id(%barrier3A)
    %dma_start3A = arith.constant 0 : i32
    %dma_start3A_5 = arith.constant 0 : i32
    %dma_start3A_6 = arith.constant 0 : i32
    %dma_start3A_7 = tpu.memref_slice %arg8[%dma_start3A_5, %dma_start3A_6] : memref<1000x32xbf16, #tpu.memory_space<vmem>> -> memref<125x32xbf16, #tpu.memory_space<vmem>>
    %dma_start3A_8 = arith.constant 0 : i32
    %dma_start3A_9 = tpu.memref_slice %arg6[%dma_start3A, %dma_start3A_8] : memref<40x125xi32, #tpu.memory_space<vmem>> -> memref<1x125xi32, #tpu.memory_space<vmem>>
    %dma_start3A_10 = tpu.memref_squeeze %dma_start3A_9 : memref<1x125xi32, #tpu.memory_space<vmem>> -> memref<125xi32, #tpu.memory_space<vmem>>
    %dma_start3A_11 = arith.constant 0 : i32
    %dma_start3A_12 = arith.constant 0 : i32
    %dma_start3A_13 = tpu.memref_slice %arg2[%dma_start3A_11, %dma_start3A_12] : memref<10000x32xbf16, #tpu.memory_space<hbm>> -> memref<10000x32xbf16, #tpu.memory_space<hbm>>
    tpu.enqueue_indirect_dma source(%dma_start3A_13 : memref<10000x32xbf16, #tpu.memory_space<hbm>>) target(%dma_start3A_7 : memref<125x32xbf16, #tpu.memory_space<vmem>>) offsets(%dma_start3A_10 : memref<125xi32, #tpu.memory_space<vmem>>) semaphore(%arg10 : memref<!tpu.dma_semaphore, #tpu.memory_space<semaphore_mem>>)
    %dma_start3A_14 = arith.constant 1 : i32
    %dma_start3A_15 = arith.constant 125 : i32
    %dma_start3A_16 = arith.constant 0 : i32
    %dma_start3A_17 = tpu.memref_slice %arg8[%dma_start3A_15, %dma_start3A_16] : memref<1000x32xbf16, #tpu.memory_space<vmem>> -> memref<125x32xbf16, #tpu.memory_space<vmem>>
    %dma_start3A_18 = arith.constant 0 : i32
    %dma_start3A_19 = tpu.memref_slice %arg6[%dma_start3A_14, %dma_start3A_18] : memref<40x125xi32, #tpu.memory_space<vmem>> -> memref<1x125xi32, #tpu.memory_space<vmem>>
    %dma_start3A_20 = tpu.memref_squeeze %dma_start3A_19 : memref<1x125xi32, #tpu.memory_space<vmem>> -> memref<125xi32, #tpu.memory_space<vmem>>
    %dma_start3A_21 = arith.constant 0 : i32
    %dma_start3A_22 = arith.constant 0 : i32
    %dma_start3A_23 = tpu.memref_slice %arg2[%dma_start3A_21, %dma_start3A_22] : memref<10000x32xbf16, #tpu.memory_space<hbm>> -> memref<10000x32xbf16, #tpu.memory_space<hbm>>
    tpu.enqueue_indirect_dma source(%dma_start3A_23 : memref<10000x32xbf16, #tpu.memory_space<hbm>>) target(%dma_start3A_17 : memref<125x32xbf16, #tpu.memory_space<vmem>>) offsets(%dma_start3A_20 : memref<125xi32, #tpu.memory_space<vmem>>) semaphore(%arg11 : memref<!tpu.dma_semaphore, #tpu.memory_space<semaphore_mem>>)
    %dma_start3A_24 = arith.constant 2 : i32
    %dma_start3A_25 = arith.constant 250 : i32
    %dma_start3A_26 = arith.constant 0 : i32
    %dma_start3A_27 = tpu.memref_slice %arg8[%dma_start3A_25, %dma_start3A_26] : memref<1000x32xbf16, #tpu.memory_space<vmem>> -> memref<125x32xbf16, #tpu.memory_space<vmem>>
    %dma_start3A_28 = arith.constant 0 : i32
    %dma_start3A_29 = tpu.memref_slice %arg6[%dma_start3A_24, %dma_start3A_28] : memref<40x125xi32, #tpu.memory_space<vmem>> -> memref<1x125xi32, #tpu.memory_space<vmem>>
    %dma_start3A_30 = tpu.memref_squeeze %dma_start3A_29 : memref<1x125xi32, #tpu.memory_space<vmem>> -> memref<125xi32, #tpu.memory_space<vmem>>
    %dma_start3A_31 = arith.constant 0 : i32
    %dma_start3A_32 = arith.constant 0 : i32
    %dma_start3A_33 = tpu.memref_slice %arg2[%dma_start3A_31, %dma_start3A_32] : memref<10000x32xbf16, #tpu.memory_space<hbm>> -> memref<10000x32xbf16, #tpu.memory_space<hbm>>
    tpu.enqueue_indirect_dma source(%dma_start3A_33 : memref<10000x32xbf16, #tpu.memory_space<hbm>>) target(%dma_start3A_27 : memref<125x32xbf16, #tpu.memory_space<vmem>>) offsets(%dma_start3A_30 : memref<125xi32, #tpu.memory_space<vmem>>) semaphore(%arg12 : memref<!tpu.dma_semaphore, #tpu.memory_space<semaphore_mem>>)
    %dma_start3A_34 = arith.constant 3 : i32
    %dma_start3A_35 = arith.constant 375 : i32
    %dma_start3A_36 = arith.constant 0 : i32
    %dma_start3A_37 = tpu.memref_slice %arg8[%dma_start3A_35, %dma_start3A_36] : memref<1000x32xbf16, #tpu.memory_space<vmem>> -> memref<125x32xbf16, #tpu.memory_space<vmem>>
    %dma_start3A_38 = arith.constant 0 : i32
    %dma_start3A_39 = tpu.memref_slice %arg6[%dma_start3A_34, %dma_start3A_38] : memref<40x125xi32, #tpu.memory_space<vmem>> -> memref<1x125xi32, #tpu.memory_space<vmem>>
    %dma_start3A_40 = tpu.memref_squeeze %dma_start3A_39 : memref<1x125xi32, #tpu.memory_space<vmem>> -> memref<125xi32, #tpu.memory_space<vmem>>
    %dma_start3A_41 = arith.constant 0 : i32
    %dma_start3A_42 = arith.constant 0 : i32
    %dma_start3A_43 = tpu.memref_slice %arg2[%dma_start3A_41, %dma_start3A_42] : memref<10000x32xbf16, #tpu.memory_space<hbm>> -> memref<10000x32xbf16, #tpu.memory_space<hbm>>
    tpu.enqueue_indirect_dma source(%dma_start3A_43 : memref<10000x32xbf16, #tpu.memory_space<hbm>>) target(%dma_start3A_37 : memref<125x32xbf16, #tpu.memory_space<vmem>>) offsets(%dma_start3A_40 : memref<125xi32, #tpu.memory_space<vmem>>) semaphore(%arg13 : memref<!tpu.dma_semaphore, #tpu.memory_space<semaphore_mem>>)
    %scan3A = arith.constant 0 : i32
    %scan3A_44 = arith.constant 5 : i32
    %scan3A_45 = arith.addi %scan3A, %scan3A_44 : i32
    %scan3A_46 = arith.constant 1 : i32
    scf.for %scan3A_128 = %scan3A to %scan3A_45 step %scan3A_46  : i32 {
      %mul3A_129 = arith.constant 8 : i32
      %mul3A_130 = arith.muli %scan3A_128, %mul3A_129 : i32
      %add3A_131 = arith.constant 0 : i32
      %add3A_132 = arith.addi %add3A_131, %mul3A_130 : i32
      %add3A_133 = arith.constant 0 : i32
      %add3A_134 = arith.addi %add3A_132, %add3A_133 : i32
      %dma_wait3A_135 = arith.constant 0 : i32
      %dma_wait3A_136 = arith.constant 0 : i32
      %dma_wait3A_137 = tpu.memref_slice %arg8[%dma_wait3A_135, %dma_wait3A_136] : memref<1000x32xbf16, #tpu.memory_space<vmem>> -> memref<125x32xbf16, #tpu.memory_space<vmem>>
      %dma_wait3A_138 = arith.constant 0 : i32
      %dma_wait3A_139 = tpu.memref_slice %arg6[%add3A_134, %dma_wait3A_138] : memref<40x125xi32, #tpu.memory_space<vmem>> -> memref<1x125xi32, #tpu.memory_space<vmem>>
      %dma_wait3A_140 = tpu.memref_squeeze %dma_wait3A_139 : memref<1x125xi32, #tpu.memory_space<vmem>> -> memref<125xi32, #tpu.memory_space<vmem>>
      %dma_wait3A_141 = arith.constant 0 : i32
      %dma_wait3A_142 = arith.constant 0 : i32
      %dma_wait3A_143 = tpu.memref_slice %arg2[%dma_wait3A_141, %dma_wait3A_142] : memref<10000x32xbf16, #tpu.memory_space<hbm>> -> memref<10000x32xbf16, #tpu.memory_space<hbm>>
      tpu.wait_indirect_dma semaphore(%arg10 : memref<!tpu.dma_semaphore, #tpu.memory_space<semaphore_mem>>) src(%dma_wait3A_143 : memref<10000x32xbf16, #tpu.memory_space<hbm>>) dst(%dma_wait3A_137 : memref<125x32xbf16, #tpu.memory_space<vmem>>)
      %dma_start3A_144 = arith.constant 0 : i32
      %dma_start3A_145 = arith.constant 0 : i32
      %dma_start3A_146 = tpu.memref_slice %arg8[%dma_start3A_144, %dma_start3A_145] : memref<1000x32xbf16, #tpu.memory_space<vmem>> -> memref<125x32xbf16, #tpu.memory_space<vmem>>
      %dma_start3A_147 = arith.constant 0 : i32
      %dma_start3A_148 = tpu.memref_slice %arg7[%add3A_134, %dma_start3A_147] : memref<40x125xi32, #tpu.memory_space<vmem>> -> memref<1x125xi32, #tpu.memory_space<vmem>>
      %dma_start3A_149 = tpu.memref_squeeze %dma_start3A_148 : memref<1x125xi32, #tpu.memory_space<vmem>> -> memref<125xi32, #tpu.memory_space<vmem>>
      %dma_start3A_150 = arith.constant 0 : i32
      %dma_start3A_151 = arith.constant 0 : i32
      %dma_start3A_152 = tpu.memref_slice %arg9[%dma_start3A_150, %dma_start3A_151] : memref<10000x32xbf16, #tpu.memory_space<vmem_shared>> -> memref<10000x32xbf16, #tpu.memory_space<vmem_shared>>
      tpu.enqueue_indirect_dma source(%dma_start3A_146 : memref<125x32xbf16, #tpu.memory_space<vmem>>) target(%dma_start3A_152 : memref<10000x32xbf16, #tpu.memory_space<vmem_shared>>) offsets(%dma_start3A_149 : memref<125xi32, #tpu.memory_space<vmem>>) semaphore(%arg18 : memref<!tpu.dma_semaphore, #tpu.memory_space<semaphore_mem>>) {add = true}
      %add3A_153 = arith.constant 4 : i32
      %add3A_154 = arith.addi %add3A_134, %add3A_153 : i32
      %lt3A = arith.constant 40 : i32
      %lt3A_155 = arith.cmpi slt, %add3A_154, %lt3A : i32
      %convert_element_type3A = arith.extui %lt3A_155 : i1 to i32
      %cond3A = arith.constant 0 : i32
      %cond3A_156 = arith.cmpi ne, %convert_element_type3A, %cond3A : i32
      scf.if %cond3A_156 {
        %add3A_346 = arith.constant 4 : i32
        %add3A_347 = arith.addi %add3A_134, %add3A_346 : i32
        %sub3A = arith.constant 8 : i32
        %sub3A_348 = arith.subi %add3A_347, %sub3A : i32
        %ge3A = arith.constant 0 : i32
        %ge3A_349 = arith.cmpi sge, %sub3A_348, %ge3A : i32
        %convert_element_type3A_350 = arith.extui %ge3A_349 : i1 to i32
        %cond3A_351 = arith.constant 0 : i32
        %cond3A_352 = arith.cmpi ne, %convert_element_type3A_350, %cond3A_351 : i32
        scf.if %cond3A_352 {
          %add3A_364 = arith.constant 4 : i32
          %add3A_365 = arith.addi %add3A_134, %add3A_364 : i32
          %sub3A_366 = arith.constant 8 : i32
          %sub3A_367 = arith.subi %add3A_365, %sub3A_366 : i32
          %dma_wait3A_368 = arith.constant 500 : i32
          %dma_wait3A_369 = arith.constant 0 : i32
          %dma_wait3A_370 = tpu.memref_slice %arg8[%dma_wait3A_368, %dma_wait3A_369] : memref<1000x32xbf16, #tpu.memory_space<vmem>> -> memref<125x32xbf16, #tpu.memory_space<vmem>>
          %dma_wait3A_371 = arith.constant 0 : i32
          %dma_wait3A_372 = tpu.memref_slice %arg7[%sub3A_367, %dma_wait3A_371] : memref<40x125xi32, #tpu.memory_space<vmem>> -> memref<1x125xi32, #tpu.memory_space<vmem>>
          %dma_wait3A_373 = tpu.memref_squeeze %dma_wait3A_372 : memref<1x125xi32, #tpu.memory_space<vmem>> -> memref<125xi32, #tpu.memory_space<vmem>>
          %dma_wait3A_374 = arith.constant 0 : i32
          %dma_wait3A_375 = arith.constant 0 : i32
          %dma_wait3A_376 = tpu.memref_slice %arg9[%dma_wait3A_374, %dma_wait3A_375] : memref<10000x32xbf16, #tpu.memory_space<vmem_shared>> -> memref<10000x32xbf16, #tpu.memory_space<vmem_shared>>
          tpu.wait_indirect_dma semaphore(%arg22 : memref<!tpu.dma_semaphore, #tpu.memory_space<semaphore_mem>>) src(%dma_wait3A_370 : memref<125x32xbf16, #tpu.memory_space<vmem>>) dst(%dma_wait3A_376 : memref<10000x32xbf16, #tpu.memory_space<vmem_shared>>)
        } else {
        }
        %add3A_353 = arith.constant 4 : i32
        %add3A_354 = arith.addi %add3A_134, %add3A_353 : i32
        %dma_start3A_355 = arith.constant 500 : i32
        %dma_start3A_356 = arith.constant 0 : i32
        %dma_start3A_357 = tpu.memref_slice %arg8[%dma_start3A_355, %dma_start3A_356] : memref<1000x32xbf16, #tpu.memory_space<vmem>> -> memref<125x32xbf16, #tpu.memory_space<vmem>>
        %dma_start3A_358 = arith.constant 0 : i32
        %dma_start3A_359 = tpu.memref_slice %arg6[%add3A_354, %dma_start3A_358] : memref<40x125xi32, #tpu.memory_space<vmem>> -> memref<1x125xi32, #tpu.memory_space<vmem>>
        %dma_start3A_360 = tpu.memref_squeeze %dma_start3A_359 : memref<1x125xi32, #tpu.memory_space<vmem>> -> memref<125xi32, #tpu.memory_space<vmem>>
        %dma_start3A_361 = arith.constant 0 : i32
        %dma_start3A_362 = arith.constant 0 : i32
        %dma_start3A_363 = tpu.memref_slice %arg2[%dma_start3A_361, %dma_start3A_362] : memref<10000x32xbf16, #tpu.memory_space<hbm>> -> memref<10000x32xbf16, #tpu.memory_space<hbm>>
        tpu.enqueue_indirect_dma source(%dma_start3A_363 : memref<10000x32xbf16, #tpu.memory_space<hbm>>) target(%dma_start3A_357 : memref<125x32xbf16, #tpu.memory_space<vmem>>) offsets(%dma_start3A_360 : memref<125xi32, #tpu.memory_space<vmem>>) semaphore(%arg14 : memref<!tpu.dma_semaphore, #tpu.memory_space<semaphore_mem>>)
      } else {
      }
      %add3A_157 = arith.constant 1 : i32
      %add3A_158 = arith.addi %add3A_132, %add3A_157 : i32
      %dma_wait3A_159 = arith.constant 125 : i32
      %dma_wait3A_160 = arith.constant 0 : i32
      %dma_wait3A_161 = tpu.memref_slice %arg8[%dma_wait3A_159, %dma_wait3A_160] : memref<1000x32xbf16, #tpu.memory_space<vmem>> -> memref<125x32xbf16, #tpu.memory_space<vmem>>
      %dma_wait3A_162 = arith.constant 0 : i32
      %dma_wait3A_163 = tpu.memref_slice %arg6[%add3A_158, %dma_wait3A_162] : memref<40x125xi32, #tpu.memory_space<vmem>> -> memref<1x125xi32, #tpu.memory_space<vmem>>
      %dma_wait3A_164 = tpu.memref_squeeze %dma_wait3A_163 : memref<1x125xi32, #tpu.memory_space<vmem>> -> memref<125xi32, #tpu.memory_space<vmem>>
      %dma_wait3A_165 = arith.constant 0 : i32
      %dma_wait3A_166 = arith.constant 0 : i32
      %dma_wait3A_167 = tpu.memref_slice %arg2[%dma_wait3A_165, %dma_wait3A_166] : memref<10000x32xbf16, #tpu.memory_space<hbm>> -> memref<10000x32xbf16, #tpu.memory_space<hbm>>
      tpu.wait_indirect_dma semaphore(%arg11 : memref<!tpu.dma_semaphore, #tpu.memory_space<semaphore_mem>>) src(%dma_wait3A_167 : memref<10000x32xbf16, #tpu.memory_space<hbm>>) dst(%dma_wait3A_161 : memref<125x32xbf16, #tpu.memory_space<vmem>>)
      %dma_start3A_168 = arith.constant 125 : i32
      %dma_start3A_169 = arith.constant 0 : i32
      %dma_start3A_170 = tpu.memref_slice %arg8[%dma_start3A_168, %dma_start3A_169] : memref<1000x32xbf16, #tpu.memory_space<vmem>> -> memref<125x32xbf16, #tpu.memory_space<vmem>>
      %dma_start3A_171 = arith.constant 0 : i32
      %dma_start3A_172 = tpu.memref_slice %arg7[%add3A_158, %dma_start3A_171] : memref<40x125xi32, #tpu.memory_space<vmem>> -> memref<1x125xi32, #tpu.memory_space<vmem>>
      %dma_start3A_173 = tpu.memref_squeeze %dma_start3A_172 : memref<1x125xi32, #tpu.memory_space<vmem>> -> memref<125xi32, #tpu.memory_space<vmem>>
      %dma_start3A_174 = arith.constant 0 : i32
      %dma_start3A_175 = arith.constant 0 : i32
      %dma_start3A_176 = tpu.memref_slice %arg9[%dma_start3A_174, %dma_start3A_175] : memref<10000x32xbf16, #tpu.memory_space<vmem_shared>> -> memref<10000x32xbf16, #tpu.memory_space<vmem_shared>>
      tpu.enqueue_indirect_dma source(%dma_start3A_170 : memref<125x32xbf16, #tpu.memory_space<vmem>>) target(%dma_start3A_176 : memref<10000x32xbf16, #tpu.memory_space<vmem_shared>>) offsets(%dma_start3A_173 : memref<125xi32, #tpu.memory_space<vmem>>) semaphore(%arg19 : memref<!tpu.dma_semaphore, #tpu.memory_space<semaphore_mem>>) {add = true}
      %add3A_177 = arith.constant 4 : i32
      %add3A_178 = arith.addi %add3A_158, %add3A_177 : i32
      %lt3A_179 = arith.constant 40 : i32
      %lt3A_180 = arith.cmpi slt, %add3A_178, %lt3A_179 : i32
      %convert_element_type3A_181 = arith.extui %lt3A_180 : i1 to i32
      %cond3A_182 = arith.constant 0 : i32
      %cond3A_183 = arith.cmpi ne, %convert_element_type3A_181, %cond3A_182 : i32
      scf.if %cond3A_183 {
        %add3A_346 = arith.constant 4 : i32
        %add3A_347 = arith.addi %add3A_158, %add3A_346 : i32
        %sub3A = arith.constant 8 : i32
        %sub3A_348 = arith.subi %add3A_347, %sub3A : i32
        %ge3A = arith.constant 0 : i32
        %ge3A_349 = arith.cmpi sge, %sub3A_348, %ge3A : i32
        %convert_element_type3A_350 = arith.extui %ge3A_349 : i1 to i32
        %cond3A_351 = arith.constant 0 : i32
        %cond3A_352 = arith.cmpi ne, %convert_element_type3A_350, %cond3A_351 : i32
        scf.if %cond3A_352 {
          %add3A_364 = arith.constant 4 : i32
          %add3A_365 = arith.addi %add3A_158, %add3A_364 : i32
          %sub3A_366 = arith.constant 8 : i32
          %sub3A_367 = arith.subi %add3A_365, %sub3A_366 : i32
          %dma_wait3A_368 = arith.constant 625 : i32
          %dma_wait3A_369 = arith.constant 0 : i32
          %dma_wait3A_370 = tpu.memref_slice %arg8[%dma_wait3A_368, %dma_wait3A_369] : memref<1000x32xbf16, #tpu.memory_space<vmem>> -> memref<125x32xbf16, #tpu.memory_space<vmem>>
          %dma_wait3A_371 = arith.constant 0 : i32
          %dma_wait3A_372 = tpu.memref_slice %arg7[%sub3A_367, %dma_wait3A_371] : memref<40x125xi32, #tpu.memory_space<vmem>> -> memref<1x125xi32, #tpu.memory_space<vmem>>
          %dma_wait3A_373 = tpu.memref_squeeze %dma_wait3A_372 : memref<1x125xi32, #tpu.memory_space<vmem>> -> memref<125xi32, #tpu.memory_space<vmem>>
          %dma_wait3A_374 = arith.constant 0 : i32
          %dma_wait3A_375 = arith.constant 0 : i32
          %dma_wait3A_376 = tpu.memref_slice %arg9[%dma_wait3A_374, %dma_wait3A_375] : memref<10000x32xbf16, #tpu.memory_space<vmem_shared>> -> memref<10000x32xbf16, #tpu.memory_space<vmem_shared>>
          tpu.wait_indirect_dma semaphore(%arg23 : memref<!tpu.dma_semaphore, #tpu.memory_space<semaphore_mem>>) src(%dma_wait3A_370 : memref<125x32xbf16, #tpu.memory_space<vmem>>) dst(%dma_wait3A_376 : memref<10000x32xbf16, #tpu.memory_space<vmem_shared>>)
        } else {
        }
        %add3A_353 = arith.constant 4 : i32
        %add3A_354 = arith.addi %add3A_158, %add3A_353 : i32
        %dma_start3A_355 = arith.constant 625 : i32
        %dma_start3A_356 = arith.constant 0 : i32
        %dma_start3A_357 = tpu.memref_slice %arg8[%dma_start3A_355, %dma_start3A_356] : memref<1000x32xbf16, #tpu.memory_space<vmem>> -> memref<125x32xbf16, #tpu.memory_space<vmem>>
        %dma_start3A_358 = arith.constant 0 : i32
        %dma_start3A_359 = tpu.memref_slice %arg6[%add3A_354, %dma_start3A_358] : memref<40x125xi32, #tpu.memory_space<vmem>> -> memref<1x125xi32, #tpu.memory_space<vmem>>
        %dma_start3A_360 = tpu.memref_squeeze %dma_start3A_359 : memref<1x125xi32, #tpu.memory_space<vmem>> -> memref<125xi32, #tpu.memory_space<vmem>>
        %dma_start3A_361 = arith.constant 0 : i32
        %dma_start3A_362 = arith.constant 0 : i32
        %dma_start3A_363 = tpu.memref_slice %arg2[%dma_start3A_361, %dma_start3A_362] : memref<10000x32xbf16, #tpu.memory_space<hbm>> -> memref<10000x32xbf16, #tpu.memory_space<hbm>>
        tpu.enqueue_indirect_dma source(%dma_start3A_363 : memref<10000x32xbf16, #tpu.memory_space<hbm>>) target(%dma_start3A_357 : memref<125x32xbf16, #tpu.memory_space<vmem>>) offsets(%dma_start3A_360 : memref<125xi32, #tpu.memory_space<vmem>>) semaphore(%arg15 : memref<!tpu.dma_semaphore, #tpu.memory_space<semaphore_mem>>)
      } else {
      }
      %add3A_184 = arith.constant 2 : i32
      %add3A_185 = arith.addi %add3A_132, %add3A_184 : i32
      %dma_wait3A_186 = arith.constant 250 : i32
      %dma_wait3A_187 = arith.constant 0 : i32
      %dma_wait3A_188 = tpu.memref_slice %arg8[%dma_wait3A_186, %dma_wait3A_187] : memref<1000x32xbf16, #tpu.memory_space<vmem>> -> memref<125x32xbf16, #tpu.memory_space<vmem>>
      %dma_wait3A_189 = arith.constant 0 : i32
      %dma_wait3A_190 = tpu.memref_slice %arg6[%add3A_185, %dma_wait3A_189] : memref<40x125xi32, #tpu.memory_space<vmem>> -> memref<1x125xi32, #tpu.memory_space<vmem>>
      %dma_wait3A_191 = tpu.memref_squeeze %dma_wait3A_190 : memref<1x125xi32, #tpu.memory_space<vmem>> -> memref<125xi32, #tpu.memory_space<vmem>>
      %dma_wait3A_192 = arith.constant 0 : i32
      %dma_wait3A_193 = arith.constant 0 : i32
      %dma_wait3A_194 = tpu.memref_slice %arg2[%dma_wait3A_192, %dma_wait3A_193] : memref<10000x32xbf16, #tpu.memory_space<hbm>> -> memref<10000x32xbf16, #tpu.memory_space<hbm>>
      tpu.wait_indirect_dma semaphore(%arg12 : memref<!tpu.dma_semaphore, #tpu.memory_space<semaphore_mem>>) src(%dma_wait3A_194 : memref<10000x32xbf16, #tpu.memory_space<hbm>>) dst(%dma_wait3A_188 : memref<125x32xbf16, #tpu.memory_space<vmem>>)
      %dma_start3A_195 = arith.constant 250 : i32
      %dma_start3A_196 = arith.constant 0 : i32
      %dma_start3A_197 = tpu.memref_slice %arg8[%dma_start3A_195, %dma_start3A_196] : memref<1000x32xbf16, #tpu.memory_space<vmem>> -> memref<125x32xbf16, #tpu.memory_space<vmem>>
      %dma_start3A_198 = arith.constant 0 : i32
      %dma_start3A_199 = tpu.memref_slice %arg7[%add3A_185, %dma_start3A_198] : memref<40x125xi32, #tpu.memory_space<vmem>> -> memref<1x125xi32, #tpu.memory_space<vmem>>
      %dma_start3A_200 = tpu.memref_squeeze %dma_start3A_199 : memref<1x125xi32, #tpu.memory_space<vmem>> -> memref<125xi32, #tpu.memory_space<vmem>>
      %dma_start3A_201 = arith.constant 0 : i32
      %dma_start3A_202 = arith.constant 0 : i32
      %dma_start3A_203 = tpu.memref_slice %arg9[%dma_start3A_201, %dma_start3A_202] : memref<10000x32xbf16, #tpu.memory_space<vmem_shared>> -> memref<10000x32xbf16, #tpu.memory_space<vmem_shared>>
      tpu.enqueue_indirect_dma source(%dma_start3A_197 : memref<125x32xbf16, #tpu.memory_space<vmem>>) target(%dma_start3A_203 : memref<10000x32xbf16, #tpu.memory_space<vmem_shared>>) offsets(%dma_start3A_200 : memref<125xi32, #tpu.memory_space<vmem>>) semaphore(%arg20 : memref<!tpu.dma_semaphore, #tpu.memory_space<semaphore_mem>>) {add = true}
      %add3A_204 = arith.constant 4 : i32
      %add3A_205 = arith.addi %add3A_185, %add3A_204 : i32
      %lt3A_206 = arith.constant 40 : i32
      %lt3A_207 = arith.cmpi slt, %add3A_205, %lt3A_206 : i32
      %convert_element_type3A_208 = arith.extui %lt3A_207 : i1 to i32
      %cond3A_209 = arith.constant 0 : i32
      %cond3A_210 = arith.cmpi ne, %convert_element_type3A_208, %cond3A_209 : i32
      scf.if %cond3A_210 {
        %add3A_346 = arith.constant 4 : i32
        %add3A_347 = arith.addi %add3A_185, %add3A_346 : i32
        %sub3A = arith.constant 8 : i32
        %sub3A_348 = arith.subi %add3A_347, %sub3A : i32
        %ge3A = arith.constant 0 : i32
        %ge3A_349 = arith.cmpi sge, %sub3A_348, %ge3A : i32
        %convert_element_type3A_350 = arith.extui %ge3A_349 : i1 to i32
        %cond3A_351 = arith.constant 0 : i32
        %cond3A_352 = arith.cmpi ne, %convert_element_type3A_350, %cond3A_351 : i32
        scf.if %cond3A_352 {
          %add3A_364 = arith.constant 4 : i32
          %add3A_365 = arith.addi %add3A_185, %add3A_364 : i32
          %sub3A_366 = arith.constant 8 : i32
          %sub3A_367 = arith.subi %add3A_365, %sub3A_366 : i32
          %dma_wait3A_368 = arith.constant 750 : i32
          %dma_wait3A_369 = arith.constant 0 : i32
          %dma_wait3A_370 = tpu.memref_slice %arg8[%dma_wait3A_368, %dma_wait3A_369] : memref<1000x32xbf16, #tpu.memory_space<vmem>> -> memref<125x32xbf16, #tpu.memory_space<vmem>>
          %dma_wait3A_371 = arith.constant 0 : i32
          %dma_wait3A_372 = tpu.memref_slice %arg7[%sub3A_367, %dma_wait3A_371] : memref<40x125xi32, #tpu.memory_space<vmem>> -> memref<1x125xi32, #tpu.memory_space<vmem>>
          %dma_wait3A_373 = tpu.memref_squeeze %dma_wait3A_372 : memref<1x125xi32, #tpu.memory_space<vmem>> -> memref<125xi32, #tpu.memory_space<vmem>>
          %dma_wait3A_374 = arith.constant 0 : i32
          %dma_wait3A_375 = arith.constant 0 : i32
          %dma_wait3A_376 = tpu.memref_slice %arg9[%dma_wait3A_374, %dma_wait3A_375] : memref<10000x32xbf16, #tpu.memory_space<vmem_shared>> -> memref<10000x32xbf16, #tpu.memory_space<vmem_shared>>
          tpu.wait_indirect_dma semaphore(%arg24 : memref<!tpu.dma_semaphore, #tpu.memory_space<semaphore_mem>>) src(%dma_wait3A_370 : memref<125x32xbf16, #tpu.memory_space<vmem>>) dst(%dma_wait3A_376 : memref<10000x32xbf16, #tpu.memory_space<vmem_shared>>)
        } else {
        }
        %add3A_353 = arith.constant 4 : i32
        %add3A_354 = arith.addi %add3A_185, %add3A_353 : i32
        %dma_start3A_355 = arith.constant 750 : i32
        %dma_start3A_356 = arith.constant 0 : i32
        %dma_start3A_357 = tpu.memref_slice %arg8[%dma_start3A_355, %dma_start3A_356] : memref<1000x32xbf16, #tpu.memory_space<vmem>> -> memref<125x32xbf16, #tpu.memory_space<vmem>>
        %dma_start3A_358 = arith.constant 0 : i32
        %dma_start3A_359 = tpu.memref_slice %arg6[%add3A_354, %dma_start3A_358] : memref<40x125xi32, #tpu.memory_space<vmem>> -> memref<1x125xi32, #tpu.memory_space<vmem>>
        %dma_start3A_360 = tpu.memref_squeeze %dma_start3A_359 : memref<1x125xi32, #tpu.memory_space<vmem>> -> memref<125xi32, #tpu.memory_space<vmem>>
        %dma_start3A_361 = arith.constant 0 : i32
        %dma_start3A_362 = arith.constant 0 : i32
        %dma_start3A_363 = tpu.memref_slice %arg2[%dma_start3A_361, %dma_start3A_362] : memref<10000x32xbf16, #tpu.memory_space<hbm>> -> memref<10000x32xbf16, #tpu.memory_space<hbm>>
        tpu.enqueue_indirect_dma source(%dma_start3A_363 : memref<10000x32xbf16, #tpu.memory_space<hbm>>) target(%dma_start3A_357 : memref<125x32xbf16, #tpu.memory_space<vmem>>) offsets(%dma_start3A_360 : memref<125xi32, #tpu.memory_space<vmem>>) semaphore(%arg16 : memref<!tpu.dma_semaphore, #tpu.memory_space<semaphore_mem>>)
      } else {
      }
      %add3A_211 = arith.constant 3 : i32
      %add3A_212 = arith.addi %add3A_132, %add3A_211 : i32
      %dma_wait3A_213 = arith.constant 375 : i32
      %dma_wait3A_214 = arith.constant 0 : i32
      %dma_wait3A_215 = tpu.memref_slice %arg8[%dma_wait3A_213, %dma_wait3A_214] : memref<1000x32xbf16, #tpu.memory_space<vmem>> -> memref<125x32xbf16, #tpu.memory_space<vmem>>
      %dma_wait3A_216 = arith.constant 0 : i32
      %dma_wait3A_217 = tpu.memref_slice %arg6[%add3A_212, %dma_wait3A_216] : memref<40x125xi32, #tpu.memory_space<vmem>> -> memref<1x125xi32, #tpu.memory_space<vmem>>
      %dma_wait3A_218 = tpu.memref_squeeze %dma_wait3A_217 : memref<1x125xi32, #tpu.memory_space<vmem>> -> memref<125xi32, #tpu.memory_space<vmem>>
      %dma_wait3A_219 = arith.constant 0 : i32
      %dma_wait3A_220 = arith.constant 0 : i32
      %dma_wait3A_221 = tpu.memref_slice %arg2[%dma_wait3A_219, %dma_wait3A_220] : memref<10000x32xbf16, #tpu.memory_space<hbm>> -> memref<10000x32xbf16, #tpu.memory_space<hbm>>
      tpu.wait_indirect_dma semaphore(%arg13 : memref<!tpu.dma_semaphore, #tpu.memory_space<semaphore_mem>>) src(%dma_wait3A_221 : memref<10000x32xbf16, #tpu.memory_space<hbm>>) dst(%dma_wait3A_215 : memref<125x32xbf16, #tpu.memory_space<vmem>>)
      %dma_start3A_222 = arith.constant 375 : i32
      %dma_start3A_223 = arith.constant 0 : i32
      %dma_start3A_224 = tpu.memref_slice %arg8[%dma_start3A_222, %dma_start3A_223] : memref<1000x32xbf16, #tpu.memory_space<vmem>> -> memref<125x32xbf16, #tpu.memory_space<vmem>>
      %dma_start3A_225 = arith.constant 0 : i32
      %dma_start3A_226 = tpu.memref_slice %arg7[%add3A_212, %dma_start3A_225] : memref<40x125xi32, #tpu.memory_space<vmem>> -> memref<1x125xi32, #tpu.memory_space<vmem>>
      %dma_start3A_227 = tpu.memref_squeeze %dma_start3A_226 : memref<1x125xi32, #tpu.memory_space<vmem>> -> memref<125xi32, #tpu.memory_space<vmem>>
      %dma_start3A_228 = arith.constant 0 : i32
      %dma_start3A_229 = arith.constant 0 : i32
      %dma_start3A_230 = tpu.memref_slice %arg9[%dma_start3A_228, %dma_start3A_229] : memref<10000x32xbf16, #tpu.memory_space<vmem_shared>> -> memref<10000x32xbf16, #tpu.memory_space<vmem_shared>>
      tpu.enqueue_indirect_dma source(%dma_start3A_224 : memref<125x32xbf16, #tpu.memory_space<vmem>>) target(%dma_start3A_230 : memref<10000x32xbf16, #tpu.memory_space<vmem_shared>>) offsets(%dma_start3A_227 : memref<125xi32, #tpu.memory_space<vmem>>) semaphore(%arg21 : memref<!tpu.dma_semaphore, #tpu.memory_space<semaphore_mem>>) {add = true}
      %add3A_231 = arith.constant 4 : i32
      %add3A_232 = arith.addi %add3A_212, %add3A_231 : i32
      %lt3A_233 = arith.constant 40 : i32
      %lt3A_234 = arith.cmpi slt, %add3A_232, %lt3A_233 : i32
      %convert_element_type3A_235 = arith.extui %lt3A_234 : i1 to i32
      %cond3A_236 = arith.constant 0 : i32
      %cond3A_237 = arith.cmpi ne, %convert_element_type3A_235, %cond3A_236 : i32
      scf.if %cond3A_237 {
        %add3A_346 = arith.constant 4 : i32
        %add3A_347 = arith.addi %add3A_212, %add3A_346 : i32
        %sub3A = arith.constant 8 : i32
        %sub3A_348 = arith.subi %add3A_347, %sub3A : i32
        %ge3A = arith.constant 0 : i32
        %ge3A_349 = arith.cmpi sge, %sub3A_348, %ge3A : i32
        %convert_element_type3A_350 = arith.extui %ge3A_349 : i1 to i32
        %cond3A_351 = arith.constant 0 : i32
        %cond3A_352 = arith.cmpi ne, %convert_element_type3A_350, %cond3A_351 : i32
        scf.if %cond3A_352 {
          %add3A_364 = arith.constant 4 : i32
          %add3A_365 = arith.addi %add3A_212, %add3A_364 : i32
          %sub3A_366 = arith.constant 8 : i32
          %sub3A_367 = arith.subi %add3A_365, %sub3A_366 : i32
          %dma_wait3A_368 = arith.constant 875 : i32
          %dma_wait3A_369 = arith.constant 0 : i32
          %dma_wait3A_370 = tpu.memref_slice %arg8[%dma_wait3A_368, %dma_wait3A_369] : memref<1000x32xbf16, #tpu.memory_space<vmem>> -> memref<125x32xbf16, #tpu.memory_space<vmem>>
          %dma_wait3A_371 = arith.constant 0 : i32
          %dma_wait3A_372 = tpu.memref_slice %arg7[%sub3A_367, %dma_wait3A_371] : memref<40x125xi32, #tpu.memory_space<vmem>> -> memref<1x125xi32, #tpu.memory_space<vmem>>
          %dma_wait3A_373 = tpu.memref_squeeze %dma_wait3A_372 : memref<1x125xi32, #tpu.memory_space<vmem>> -> memref<125xi32, #tpu.memory_space<vmem>>
          %dma_wait3A_374 = arith.constant 0 : i32
          %dma_wait3A_375 = arith.constant 0 : i32
          %dma_wait3A_376 = tpu.memref_slice %arg9[%dma_wait3A_374, %dma_wait3A_375] : memref<10000x32xbf16, #tpu.memory_space<vmem_shared>> -> memref<10000x32xbf16, #tpu.memory_space<vmem_shared>>
          tpu.wait_indirect_dma semaphore(%arg25 : memref<!tpu.dma_semaphore, #tpu.memory_space<semaphore_mem>>) src(%dma_wait3A_370 : memref<125x32xbf16, #tpu.memory_space<vmem>>) dst(%dma_wait3A_376 : memref<10000x32xbf16, #tpu.memory_space<vmem_shared>>)
        } else {
        }
        %add3A_353 = arith.constant 4 : i32
        %add3A_354 = arith.addi %add3A_212, %add3A_353 : i32
        %dma_start3A_355 = arith.constant 875 : i32
        %dma_start3A_356 = arith.constant 0 : i32
        %dma_start3A_357 = tpu.memref_slice %arg8[%dma_start3A_355, %dma_start3A_356] : memref<1000x32xbf16, #tpu.memory_space<vmem>> -> memref<125x32xbf16, #tpu.memory_space<vmem>>
        %dma_start3A_358 = arith.constant 0 : i32
        %dma_start3A_359 = tpu.memref_slice %arg6[%add3A_354, %dma_start3A_358] : memref<40x125xi32, #tpu.memory_space<vmem>> -> memref<1x125xi32, #tpu.memory_space<vmem>>
        %dma_start3A_360 = tpu.memref_squeeze %dma_start3A_359 : memref<1x125xi32, #tpu.memory_space<vmem>> -> memref<125xi32, #tpu.memory_space<vmem>>
        %dma_start3A_361 = arith.constant 0 : i32
        %dma_start3A_362 = arith.constant 0 : i32
        %dma_start3A_363 = tpu.memref_slice %arg2[%dma_start3A_361, %dma_start3A_362] : memref<10000x32xbf16, #tpu.memory_space<hbm>> -> memref<10000x32xbf16, #tpu.memory_space<hbm>>
        tpu.enqueue_indirect_dma source(%dma_start3A_363 : memref<10000x32xbf16, #tpu.memory_space<hbm>>) target(%dma_start3A_357 : memref<125x32xbf16, #tpu.memory_space<vmem>>) offsets(%dma_start3A_360 : memref<125xi32, #tpu.memory_space<vmem>>) semaphore(%arg17 : memref<!tpu.dma_semaphore, #tpu.memory_space<semaphore_mem>>)
      } else {
      }
      %add3A_238 = arith.constant 4 : i32
      %add3A_239 = arith.addi %add3A_132, %add3A_238 : i32
      %dma_wait3A_240 = arith.constant 500 : i32
      %dma_wait3A_241 = arith.constant 0 : i32
      %dma_wait3A_242 = tpu.memref_slice %arg8[%dma_wait3A_240, %dma_wait3A_241] : memref<1000x32xbf16, #tpu.memory_space<vmem>> -> memref<125x32xbf16, #tpu.memory_space<vmem>>
      %dma_wait3A_243 = arith.constant 0 : i32
      %dma_wait3A_244 = tpu.memref_slice %arg6[%add3A_239, %dma_wait3A_243] : memref<40x125xi32, #tpu.memory_space<vmem>> -> memref<1x125xi32, #tpu.memory_space<vmem>>
      %dma_wait3A_245 = tpu.memref_squeeze %dma_wait3A_244 : memref<1x125xi32, #tpu.memory_space<vmem>> -> memref<125xi32, #tpu.memory_space<vmem>>
      %dma_wait3A_246 = arith.constant 0 : i32
      %dma_wait3A_247 = arith.constant 0 : i32
      %dma_wait3A_248 = tpu.memref_slice %arg2[%dma_wait3A_246, %dma_wait3A_247] : memref<10000x32xbf16, #tpu.memory_space<hbm>> -> memref<10000x32xbf16, #tpu.memory_space<hbm>>
      tpu.wait_indirect_dma semaphore(%arg14 : memref<!tpu.dma_semaphore, #tpu.memory_space<semaphore_mem>>) src(%dma_wait3A_248 : memref<10000x32xbf16, #tpu.memory_space<hbm>>) dst(%dma_wait3A_242 : memref<125x32xbf16, #tpu.memory_space<vmem>>)
      %dma_start3A_249 = arith.constant 500 : i32
      %dma_start3A_250 = arith.constant 0 : i32
      %dma_start3A_251 = tpu.memref_slice %arg8[%dma_start3A_249, %dma_start3A_250] : memref<1000x32xbf16, #tpu.memory_space<vmem>> -> memref<125x32xbf16, #tpu.memory_space<vmem>>
      %dma_start3A_252 = arith.constant 0 : i32
      %dma_start3A_253 = tpu.memref_slice %arg7[%add3A_239, %dma_start3A_252] : memref<40x125xi32, #tpu.memory_space<vmem>> -> memref<1x125xi32, #tpu.memory_space<vmem>>
      %dma_start3A_254 = tpu.memref_squeeze %dma_start3A_253 : memref<1x125xi32, #tpu.memory_space<vmem>> -> memref<125xi32, #tpu.memory_space<vmem>>
      %dma_start3A_255 = arith.constant 0 : i32
      %dma_start3A_256 = arith.constant 0 : i32
      %dma_start3A_257 = tpu.memref_slice %arg9[%dma_start3A_255, %dma_start3A_256] : memref<10000x32xbf16, #tpu.memory_space<vmem_shared>> -> memref<10000x32xbf16, #tpu.memory_space<vmem_shared>>
      tpu.enqueue_indirect_dma source(%dma_start3A_251 : memref<125x32xbf16, #tpu.memory_space<vmem>>) target(%dma_start3A_257 : memref<10000x32xbf16, #tpu.memory_space<vmem_shared>>) offsets(%dma_start3A_254 : memref<125xi32, #tpu.memory_space<vmem>>) semaphore(%arg22 : memref<!tpu.dma_semaphore, #tpu.memory_space<semaphore_mem>>) {add = true}
      %add3A_258 = arith.constant 4 : i32
      %add3A_259 = arith.addi %add3A_239, %add3A_258 : i32
      %lt3A_260 = arith.constant 40 : i32
      %lt3A_261 = arith.cmpi slt, %add3A_259, %lt3A_260 : i32
      %convert_element_type3A_262 = arith.extui %lt3A_261 : i1 to i32
      %cond3A_263 = arith.constant 0 : i32
      %cond3A_264 = arith.cmpi ne, %convert_element_type3A_262, %cond3A_263 : i32
      scf.if %cond3A_264 {
        %add3A_346 = arith.constant 4 : i32
        %add3A_347 = arith.addi %add3A_239, %add3A_346 : i32
        %sub3A = arith.constant 8 : i32
        %sub3A_348 = arith.subi %add3A_347, %sub3A : i32
        %ge3A = arith.constant 0 : i32
        %ge3A_349 = arith.cmpi sge, %sub3A_348, %ge3A : i32
        %convert_element_type3A_350 = arith.extui %ge3A_349 : i1 to i32
        %cond3A_351 = arith.constant 0 : i32
        %cond3A_352 = arith.cmpi ne, %convert_element_type3A_350, %cond3A_351 : i32
        scf.if %cond3A_352 {
          %add3A_364 = arith.constant 4 : i32
          %add3A_365 = arith.addi %add3A_239, %add3A_364 : i32
          %sub3A_366 = arith.constant 8 : i32
          %sub3A_367 = arith.subi %add3A_365, %sub3A_366 : i32
          %dma_wait3A_368 = arith.constant 0 : i32
          %dma_wait3A_369 = arith.constant 0 : i32
          %dma_wait3A_370 = tpu.memref_slice %arg8[%dma_wait3A_368, %dma_wait3A_369] : memref<1000x32xbf16, #tpu.memory_space<vmem>> -> memref<125x32xbf16, #tpu.memory_space<vmem>>
          %dma_wait3A_371 = arith.constant 0 : i32
          %dma_wait3A_372 = tpu.memref_slice %arg7[%sub3A_367, %dma_wait3A_371] : memref<40x125xi32, #tpu.memory_space<vmem>> -> memref<1x125xi32, #tpu.memory_space<vmem>>
          %dma_wait3A_373 = tpu.memref_squeeze %dma_wait3A_372 : memref<1x125xi32, #tpu.memory_space<vmem>> -> memref<125xi32, #tpu.memory_space<vmem>>
          %dma_wait3A_374 = arith.constant 0 : i32
          %dma_wait3A_375 = arith.constant 0 : i32
          %dma_wait3A_376 = tpu.memref_slice %arg9[%dma_wait3A_374, %dma_wait3A_375] : memref<10000x32xbf16, #tpu.memory_space<vmem_shared>> -> memref<10000x32xbf16, #tpu.memory_space<vmem_shared>>
          tpu.wait_indirect_dma semaphore(%arg18 : memref<!tpu.dma_semaphore, #tpu.memory_space<semaphore_mem>>) src(%dma_wait3A_370 : memref<125x32xbf16, #tpu.memory_space<vmem>>) dst(%dma_wait3A_376 : memref<10000x32xbf16, #tpu.memory_space<vmem_shared>>)
        } else {
        }
        %add3A_353 = arith.constant 4 : i32
        %add3A_354 = arith.addi %add3A_239, %add3A_353 : i32
        %dma_start3A_355 = arith.constant 0 : i32
        %dma_start3A_356 = arith.constant 0 : i32
        %dma_start3A_357 = tpu.memref_slice %arg8[%dma_start3A_355, %dma_start3A_356] : memref<1000x32xbf16, #tpu.memory_space<vmem>> -> memref<125x32xbf16, #tpu.memory_space<vmem>>
        %dma_start3A_358 = arith.constant 0 : i32
        %dma_start3A_359 = tpu.memref_slice %arg6[%add3A_354, %dma_start3A_358] : memref<40x125xi32, #tpu.memory_space<vmem>> -> memref<1x125xi32, #tpu.memory_space<vmem>>
        %dma_start3A_360 = tpu.memref_squeeze %dma_start3A_359 : memref<1x125xi32, #tpu.memory_space<vmem>> -> memref<125xi32, #tpu.memory_space<vmem>>
        %dma_start3A_361 = arith.constant 0 : i32
        %dma_start3A_362 = arith.constant 0 : i32
        %dma_start3A_363 = tpu.memref_slice %arg2[%dma_start3A_361, %dma_start3A_362] : memref<10000x32xbf16, #tpu.memory_space<hbm>> -> memref<10000x32xbf16, #tpu.memory_space<hbm>>
        tpu.enqueue_indirect_dma source(%dma_start3A_363 : memref<10000x32xbf16, #tpu.memory_space<hbm>>) target(%dma_start3A_357 : memref<125x32xbf16, #tpu.memory_space<vmem>>) offsets(%dma_start3A_360 : memref<125xi32, #tpu.memory_space<vmem>>) semaphore(%arg10 : memref<!tpu.dma_semaphore, #tpu.memory_space<semaphore_mem>>)
      } else {
      }
      %add3A_265 = arith.constant 5 : i32
      %add3A_266 = arith.addi %add3A_132, %add3A_265 : i32
      %dma_wait3A_267 = arith.constant 625 : i32
      %dma_wait3A_268 = arith.constant 0 : i32
      %dma_wait3A_269 = tpu.memref_slice %arg8[%dma_wait3A_267, %dma_wait3A_268] : memref<1000x32xbf16, #tpu.memory_space<vmem>> -> memref<125x32xbf16, #tpu.memory_space<vmem>>
      %dma_wait3A_270 = arith.constant 0 : i32
      %dma_wait3A_271 = tpu.memref_slice %arg6[%add3A_266, %dma_wait3A_270] : memref<40x125xi32, #tpu.memory_space<vmem>> -> memref<1x125xi32, #tpu.memory_space<vmem>>
      %dma_wait3A_272 = tpu.memref_squeeze %dma_wait3A_271 : memref<1x125xi32, #tpu.memory_space<vmem>> -> memref<125xi32, #tpu.memory_space<vmem>>
      %dma_wait3A_273 = arith.constant 0 : i32
      %dma_wait3A_274 = arith.constant 0 : i32
      %dma_wait3A_275 = tpu.memref_slice %arg2[%dma_wait3A_273, %dma_wait3A_274] : memref<10000x32xbf16, #tpu.memory_space<hbm>> -> memref<10000x32xbf16, #tpu.memory_space<hbm>>
      tpu.wait_indirect_dma semaphore(%arg15 : memref<!tpu.dma_semaphore, #tpu.memory_space<semaphore_mem>>) src(%dma_wait3A_275 : memref<10000x32xbf16, #tpu.memory_space<hbm>>) dst(%dma_wait3A_269 : memref<125x32xbf16, #tpu.memory_space<vmem>>)
      %dma_start3A_276 = arith.constant 625 : i32
      %dma_start3A_277 = arith.constant 0 : i32
      %dma_start3A_278 = tpu.memref_slice %arg8[%dma_start3A_276, %dma_start3A_277] : memref<1000x32xbf16, #tpu.memory_space<vmem>> -> memref<125x32xbf16, #tpu.memory_space<vmem>>
      %dma_start3A_279 = arith.constant 0 : i32
      %dma_start3A_280 = tpu.memref_slice %arg7[%add3A_266, %dma_start3A_279] : memref<40x125xi32, #tpu.memory_space<vmem>> -> memref<1x125xi32, #tpu.memory_space<vmem>>
      %dma_start3A_281 = tpu.memref_squeeze %dma_start3A_280 : memref<1x125xi32, #tpu.memory_space<vmem>> -> memref<125xi32, #tpu.memory_space<vmem>>
      %dma_start3A_282 = arith.constant 0 : i32
      %dma_start3A_283 = arith.constant 0 : i32
      %dma_start3A_284 = tpu.memref_slice %arg9[%dma_start3A_282, %dma_start3A_283] : memref<10000x32xbf16, #tpu.memory_space<vmem_shared>> -> memref<10000x32xbf16, #tpu.memory_space<vmem_shared>>
      tpu.enqueue_indirect_dma source(%dma_start3A_278 : memref<125x32xbf16, #tpu.memory_space<vmem>>) target(%dma_start3A_284 : memref<10000x32xbf16, #tpu.memory_space<vmem_shared>>) offsets(%dma_start3A_281 : memref<125xi32, #tpu.memory_space<vmem>>) semaphore(%arg23 : memref<!tpu.dma_semaphore, #tpu.memory_space<semaphore_mem>>) {add = true}
      %add3A_285 = arith.constant 4 : i32
      %add3A_286 = arith.addi %add3A_266, %add3A_285 : i32
      %lt3A_287 = arith.constant 40 : i32
      %lt3A_288 = arith.cmpi slt, %add3A_286, %lt3A_287 : i32
      %convert_element_type3A_289 = arith.extui %lt3A_288 : i1 to i32
      %cond3A_290 = arith.constant 0 : i32
      %cond3A_291 = arith.cmpi ne, %convert_element_type3A_289, %cond3A_290 : i32
      scf.if %cond3A_291 {
        %add3A_346 = arith.constant 4 : i32
        %add3A_347 = arith.addi %add3A_266, %add3A_346 : i32
        %sub3A = arith.constant 8 : i32
        %sub3A_348 = arith.subi %add3A_347, %sub3A : i32
        %ge3A = arith.constant 0 : i32
        %ge3A_349 = arith.cmpi sge, %sub3A_348, %ge3A : i32
        %convert_element_type3A_350 = arith.extui %ge3A_349 : i1 to i32
        %cond3A_351 = arith.constant 0 : i32
        %cond3A_352 = arith.cmpi ne, %convert_element_type3A_350, %cond3A_351 : i32
        scf.if %cond3A_352 {
          %add3A_364 = arith.constant 4 : i32
          %add3A_365 = arith.addi %add3A_266, %add3A_364 : i32
          %sub3A_366 = arith.constant 8 : i32
          %sub3A_367 = arith.subi %add3A_365, %sub3A_366 : i32
          %dma_wait3A_368 = arith.constant 125 : i32
          %dma_wait3A_369 = arith.constant 0 : i32
          %dma_wait3A_370 = tpu.memref_slice %arg8[%dma_wait3A_368, %dma_wait3A_369] : memref<1000x32xbf16, #tpu.memory_space<vmem>> -> memref<125x32xbf16, #tpu.memory_space<vmem>>
          %dma_wait3A_371 = arith.constant 0 : i32
          %dma_wait3A_372 = tpu.memref_slice %arg7[%sub3A_367, %dma_wait3A_371] : memref<40x125xi32, #tpu.memory_space<vmem>> -> memref<1x125xi32, #tpu.memory_space<vmem>>
          %dma_wait3A_373 = tpu.memref_squeeze %dma_wait3A_372 : memref<1x125xi32, #tpu.memory_space<vmem>> -> memref<125xi32, #tpu.memory_space<vmem>>
          %dma_wait3A_374 = arith.constant 0 : i32
          %dma_wait3A_375 = arith.constant 0 : i32
          %dma_wait3A_376 = tpu.memref_slice %arg9[%dma_wait3A_374, %dma_wait3A_375] : memref<10000x32xbf16, #tpu.memory_space<vmem_shared>> -> memref<10000x32xbf16, #tpu.memory_space<vmem_shared>>
          tpu.wait_indirect_dma semaphore(%arg19 : memref<!tpu.dma_semaphore, #tpu.memory_space<semaphore_mem>>) src(%dma_wait3A_370 : memref<125x32xbf16, #tpu.memory_space<vmem>>) dst(%dma_wait3A_376 : memref<10000x32xbf16, #tpu.memory_space<vmem_shared>>)
        } else {
        }
        %add3A_353 = arith.constant 4 : i32
        %add3A_354 = arith.addi %add3A_266, %add3A_353 : i32
        %dma_start3A_355 = arith.constant 125 : i32
        %dma_start3A_356 = arith.constant 0 : i32
        %dma_start3A_357 = tpu.memref_slice %arg8[%dma_start3A_355, %dma_start3A_356] : memref<1000x32xbf16, #tpu.memory_space<vmem>> -> memref<125x32xbf16, #tpu.memory_space<vmem>>
        %dma_start3A_358 = arith.constant 0 : i32
        %dma_start3A_359 = tpu.memref_slice %arg6[%add3A_354, %dma_start3A_358] : memref<40x125xi32, #tpu.memory_space<vmem>> -> memref<1x125xi32, #tpu.memory_space<vmem>>
        %dma_start3A_360 = tpu.memref_squeeze %dma_start3A_359 : memref<1x125xi32, #tpu.memory_space<vmem>> -> memref<125xi32, #tpu.memory_space<vmem>>
        %dma_start3A_361 = arith.constant 0 : i32
        %dma_start3A_362 = arith.constant 0 : i32
        %dma_start3A_363 = tpu.memref_slice %arg2[%dma_start3A_361, %dma_start3A_362] : memref<10000x32xbf16, #tpu.memory_space<hbm>> -> memref<10000x32xbf16, #tpu.memory_space<hbm>>
        tpu.enqueue_indirect_dma source(%dma_start3A_363 : memref<10000x32xbf16, #tpu.memory_space<hbm>>) target(%dma_start3A_357 : memref<125x32xbf16, #tpu.memory_space<vmem>>) offsets(%dma_start3A_360 : memref<125xi32, #tpu.memory_space<vmem>>) semaphore(%arg11 : memref<!tpu.dma_semaphore, #tpu.memory_space<semaphore_mem>>)
      } else {
      }
      %add3A_292 = arith.constant 6 : i32
      %add3A_293 = arith.addi %add3A_132, %add3A_292 : i32
      %dma_wait3A_294 = arith.constant 750 : i32
      %dma_wait3A_295 = arith.constant 0 : i32
      %dma_wait3A_296 = tpu.memref_slice %arg8[%dma_wait3A_294, %dma_wait3A_295] : memref<1000x32xbf16, #tpu.memory_space<vmem>> -> memref<125x32xbf16, #tpu.memory_space<vmem>>
      %dma_wait3A_297 = arith.constant 0 : i32
      %dma_wait3A_298 = tpu.memref_slice %arg6[%add3A_293, %dma_wait3A_297] : memref<40x125xi32, #tpu.memory_space<vmem>> -> memref<1x125xi32, #tpu.memory_space<vmem>>
      %dma_wait3A_299 = tpu.memref_squeeze %dma_wait3A_298 : memref<1x125xi32, #tpu.memory_space<vmem>> -> memref<125xi32, #tpu.memory_space<vmem>>
      %dma_wait3A_300 = arith.constant 0 : i32
      %dma_wait3A_301 = arith.constant 0 : i32
      %dma_wait3A_302 = tpu.memref_slice %arg2[%dma_wait3A_300, %dma_wait3A_301] : memref<10000x32xbf16, #tpu.memory_space<hbm>> -> memref<10000x32xbf16, #tpu.memory_space<hbm>>
      tpu.wait_indirect_dma semaphore(%arg16 : memref<!tpu.dma_semaphore, #tpu.memory_space<semaphore_mem>>) src(%dma_wait3A_302 : memref<10000x32xbf16, #tpu.memory_space<hbm>>) dst(%dma_wait3A_296 : memref<125x32xbf16, #tpu.memory_space<vmem>>)
      %dma_start3A_303 = arith.constant 750 : i32
      %dma_start3A_304 = arith.constant 0 : i32
      %dma_start3A_305 = tpu.memref_slice %arg8[%dma_start3A_303, %dma_start3A_304] : memref<1000x32xbf16, #tpu.memory_space<vmem>> -> memref<125x32xbf16, #tpu.memory_space<vmem>>
      %dma_start3A_306 = arith.constant 0 : i32
      %dma_start3A_307 = tpu.memref_slice %arg7[%add3A_293, %dma_start3A_306] : memref<40x125xi32, #tpu.memory_space<vmem>> -> memref<1x125xi32, #tpu.memory_space<vmem>>
      %dma_start3A_308 = tpu.memref_squeeze %dma_start3A_307 : memref<1x125xi32, #tpu.memory_space<vmem>> -> memref<125xi32, #tpu.memory_space<vmem>>
      %dma_start3A_309 = arith.constant 0 : i32
      %dma_start3A_310 = arith.constant 0 : i32
      %dma_start3A_311 = tpu.memref_slice %arg9[%dma_start3A_309, %dma_start3A_310] : memref<10000x32xbf16, #tpu.memory_space<vmem_shared>> -> memref<10000x32xbf16, #tpu.memory_space<vmem_shared>>
      tpu.enqueue_indirect_dma source(%dma_start3A_305 : memref<125x32xbf16, #tpu.memory_space<vmem>>) target(%dma_start3A_311 : memref<10000x32xbf16, #tpu.memory_space<vmem_shared>>) offsets(%dma_start3A_308 : memref<125xi32, #tpu.memory_space<vmem>>) semaphore(%arg24 : memref<!tpu.dma_semaphore, #tpu.memory_space<semaphore_mem>>) {add = true}
      %add3A_312 = arith.constant 4 : i32
      %add3A_313 = arith.addi %add3A_293, %add3A_312 : i32
      %lt3A_314 = arith.constant 40 : i32
      %lt3A_315 = arith.cmpi slt, %add3A_313, %lt3A_314 : i32
      %convert_element_type3A_316 = arith.extui %lt3A_315 : i1 to i32
      %cond3A_317 = arith.constant 0 : i32
      %cond3A_318 = arith.cmpi ne, %convert_element_type3A_316, %cond3A_317 : i32
      scf.if %cond3A_318 {
        %add3A_346 = arith.constant 4 : i32
        %add3A_347 = arith.addi %add3A_293, %add3A_346 : i32
        %sub3A = arith.constant 8 : i32
        %sub3A_348 = arith.subi %add3A_347, %sub3A : i32
        %ge3A = arith.constant 0 : i32
        %ge3A_349 = arith.cmpi sge, %sub3A_348, %ge3A : i32
        %convert_element_type3A_350 = arith.extui %ge3A_349 : i1 to i32
        %cond3A_351 = arith.constant 0 : i32
        %cond3A_352 = arith.cmpi ne, %convert_element_type3A_350, %cond3A_351 : i32
        scf.if %cond3A_352 {
          %add3A_364 = arith.constant 4 : i32
          %add3A_365 = arith.addi %add3A_293, %add3A_364 : i32
          %sub3A_366 = arith.constant 8 : i32
          %sub3A_367 = arith.subi %add3A_365, %sub3A_366 : i32
          %dma_wait3A_368 = arith.constant 250 : i32
          %dma_wait3A_369 = arith.constant 0 : i32
          %dma_wait3A_370 = tpu.memref_slice %arg8[%dma_wait3A_368, %dma_wait3A_369] : memref<1000x32xbf16, #tpu.memory_space<vmem>> -> memref<125x32xbf16, #tpu.memory_space<vmem>>
          %dma_wait3A_371 = arith.constant 0 : i32
          %dma_wait3A_372 = tpu.memref_slice %arg7[%sub3A_367, %dma_wait3A_371] : memref<40x125xi32, #tpu.memory_space<vmem>> -> memref<1x125xi32, #tpu.memory_space<vmem>>
          %dma_wait3A_373 = tpu.memref_squeeze %dma_wait3A_372 : memref<1x125xi32, #tpu.memory_space<vmem>> -> memref<125xi32, #tpu.memory_space<vmem>>
          %dma_wait3A_374 = arith.constant 0 : i32
          %dma_wait3A_375 = arith.constant 0 : i32
          %dma_wait3A_376 = tpu.memref_slice %arg9[%dma_wait3A_374, %dma_wait3A_375] : memref<10000x32xbf16, #tpu.memory_space<vmem_shared>> -> memref<10000x32xbf16, #tpu.memory_space<vmem_shared>>
          tpu.wait_indirect_dma semaphore(%arg20 : memref<!tpu.dma_semaphore, #tpu.memory_space<semaphore_mem>>) src(%dma_wait3A_370 : memref<125x32xbf16, #tpu.memory_space<vmem>>) dst(%dma_wait3A_376 : memref<10000x32xbf16, #tpu.memory_space<vmem_shared>>)
        } else {
        }
        %add3A_353 = arith.constant 4 : i32
        %add3A_354 = arith.addi %add3A_293, %add3A_353 : i32
        %dma_start3A_355 = arith.constant 250 : i32
        %dma_start3A_356 = arith.constant 0 : i32
        %dma_start3A_357 = tpu.memref_slice %arg8[%dma_start3A_355, %dma_start3A_356] : memref<1000x32xbf16, #tpu.memory_space<vmem>> -> memref<125x32xbf16, #tpu.memory_space<vmem>>
        %dma_start3A_358 = arith.constant 0 : i32
        %dma_start3A_359 = tpu.memref_slice %arg6[%add3A_354, %dma_start3A_358] : memref<40x125xi32, #tpu.memory_space<vmem>> -> memref<1x125xi32, #tpu.memory_space<vmem>>
        %dma_start3A_360 = tpu.memref_squeeze %dma_start3A_359 : memref<1x125xi32, #tpu.memory_space<vmem>> -> memref<125xi32, #tpu.memory_space<vmem>>
        %dma_start3A_361 = arith.constant 0 : i32
        %dma_start3A_362 = arith.constant 0 : i32
        %dma_start3A_363 = tpu.memref_slice %arg2[%dma_start3A_361, %dma_start3A_362] : memref<10000x32xbf16, #tpu.memory_space<hbm>> -> memref<10000x32xbf16, #tpu.memory_space<hbm>>
        tpu.enqueue_indirect_dma source(%dma_start3A_363 : memref<10000x32xbf16, #tpu.memory_space<hbm>>) target(%dma_start3A_357 : memref<125x32xbf16, #tpu.memory_space<vmem>>) offsets(%dma_start3A_360 : memref<125xi32, #tpu.memory_space<vmem>>) semaphore(%arg12 : memref<!tpu.dma_semaphore, #tpu.memory_space<semaphore_mem>>)
      } else {
      }
      %add3A_319 = arith.constant 7 : i32
      %add3A_320 = arith.addi %add3A_132, %add3A_319 : i32
      %dma_wait3A_321 = arith.constant 875 : i32
      %dma_wait3A_322 = arith.constant 0 : i32
      %dma_wait3A_323 = tpu.memref_slice %arg8[%dma_wait3A_321, %dma_wait3A_322] : memref<1000x32xbf16, #tpu.memory_space<vmem>> -> memref<125x32xbf16, #tpu.memory_space<vmem>>
      %dma_wait3A_324 = arith.constant 0 : i32
      %dma_wait3A_325 = tpu.memref_slice %arg6[%add3A_320, %dma_wait3A_324] : memref<40x125xi32, #tpu.memory_space<vmem>> -> memref<1x125xi32, #tpu.memory_space<vmem>>
      %dma_wait3A_326 = tpu.memref_squeeze %dma_wait3A_325 : memref<1x125xi32, #tpu.memory_space<vmem>> -> memref<125xi32, #tpu.memory_space<vmem>>
      %dma_wait3A_327 = arith.constant 0 : i32
      %dma_wait3A_328 = arith.constant 0 : i32
      %dma_wait3A_329 = tpu.memref_slice %arg2[%dma_wait3A_327, %dma_wait3A_328] : memref<10000x32xbf16, #tpu.memory_space<hbm>> -> memref<10000x32xbf16, #tpu.memory_space<hbm>>
      tpu.wait_indirect_dma semaphore(%arg17 : memref<!tpu.dma_semaphore, #tpu.memory_space<semaphore_mem>>) src(%dma_wait3A_329 : memref<10000x32xbf16, #tpu.memory_space<hbm>>) dst(%dma_wait3A_323 : memref<125x32xbf16, #tpu.memory_space<vmem>>)
      %dma_start3A_330 = arith.constant 875 : i32
      %dma_start3A_331 = arith.constant 0 : i32
      %dma_start3A_332 = tpu.memref_slice %arg8[%dma_start3A_330, %dma_start3A_331] : memref<1000x32xbf16, #tpu.memory_space<vmem>> -> memref<125x32xbf16, #tpu.memory_space<vmem>>
      %dma_start3A_333 = arith.constant 0 : i32
      %dma_start3A_334 = tpu.memref_slice %arg7[%add3A_320, %dma_start3A_333] : memref<40x125xi32, #tpu.memory_space<vmem>> -> memref<1x125xi32, #tpu.memory_space<vmem>>
      %dma_start3A_335 = tpu.memref_squeeze %dma_start3A_334 : memref<1x125xi32, #tpu.memory_space<vmem>> -> memref<125xi32, #tpu.memory_space<vmem>>
      %dma_start3A_336 = arith.constant 0 : i32
      %dma_start3A_337 = arith.constant 0 : i32
      %dma_start3A_338 = tpu.memref_slice %arg9[%dma_start3A_336, %dma_start3A_337] : memref<10000x32xbf16, #tpu.memory_space<vmem_shared>> -> memref<10000x32xbf16, #tpu.memory_space<vmem_shared>>
      tpu.enqueue_indirect_dma source(%dma_start3A_332 : memref<125x32xbf16, #tpu.memory_space<vmem>>) target(%dma_start3A_338 : memref<10000x32xbf16, #tpu.memory_space<vmem_shared>>) offsets(%dma_start3A_335 : memref<125xi32, #tpu.memory_space<vmem>>) semaphore(%arg25 : memref<!tpu.dma_semaphore, #tpu.memory_space<semaphore_mem>>) {add = true}
      %add3A_339 = arith.constant 4 : i32
      %add3A_340 = arith.addi %add3A_320, %add3A_339 : i32
      %lt3A_341 = arith.constant 40 : i32
      %lt3A_342 = arith.cmpi slt, %add3A_340, %lt3A_341 : i32
      %convert_element_type3A_343 = arith.extui %lt3A_342 : i1 to i32
      %cond3A_344 = arith.constant 0 : i32
      %cond3A_345 = arith.cmpi ne, %convert_element_type3A_343, %cond3A_344 : i32
      scf.if %cond3A_345 {
        %add3A_346 = arith.constant 4 : i32
        %add3A_347 = arith.addi %add3A_320, %add3A_346 : i32
        %sub3A = arith.constant 8 : i32
        %sub3A_348 = arith.subi %add3A_347, %sub3A : i32
        %ge3A = arith.constant 0 : i32
        %ge3A_349 = arith.cmpi sge, %sub3A_348, %ge3A : i32
        %convert_element_type3A_350 = arith.extui %ge3A_349 : i1 to i32
        %cond3A_351 = arith.constant 0 : i32
        %cond3A_352 = arith.cmpi ne, %convert_element_type3A_350, %cond3A_351 : i32
        scf.if %cond3A_352 {
          %add3A_364 = arith.constant 4 : i32
          %add3A_365 = arith.addi %add3A_320, %add3A_364 : i32
          %sub3A_366 = arith.constant 8 : i32
          %sub3A_367 = arith.subi %add3A_365, %sub3A_366 : i32
          %dma_wait3A_368 = arith.constant 375 : i32
          %dma_wait3A_369 = arith.constant 0 : i32
          %dma_wait3A_370 = tpu.memref_slice %arg8[%dma_wait3A_368, %dma_wait3A_369] : memref<1000x32xbf16, #tpu.memory_space<vmem>> -> memref<125x32xbf16, #tpu.memory_space<vmem>>
          %dma_wait3A_371 = arith.constant 0 : i32
          %dma_wait3A_372 = tpu.memref_slice %arg7[%sub3A_367, %dma_wait3A_371] : memref<40x125xi32, #tpu.memory_space<vmem>> -> memref<1x125xi32, #tpu.memory_space<vmem>>
          %dma_wait3A_373 = tpu.memref_squeeze %dma_wait3A_372 : memref<1x125xi32, #tpu.memory_space<vmem>> -> memref<125xi32, #tpu.memory_space<vmem>>
          %dma_wait3A_374 = arith.constant 0 : i32
          %dma_wait3A_375 = arith.constant 0 : i32
          %dma_wait3A_376 = tpu.memref_slice %arg9[%dma_wait3A_374, %dma_wait3A_375] : memref<10000x32xbf16, #tpu.memory_space<vmem_shared>> -> memref<10000x32xbf16, #tpu.memory_space<vmem_shared>>
          tpu.wait_indirect_dma semaphore(%arg21 : memref<!tpu.dma_semaphore, #tpu.memory_space<semaphore_mem>>) src(%dma_wait3A_370 : memref<125x32xbf16, #tpu.memory_space<vmem>>) dst(%dma_wait3A_376 : memref<10000x32xbf16, #tpu.memory_space<vmem_shared>>)
        } else {
        }
        %add3A_353 = arith.constant 4 : i32
        %add3A_354 = arith.addi %add3A_320, %add3A_353 : i32
        %dma_start3A_355 = arith.constant 375 : i32
        %dma_start3A_356 = arith.constant 0 : i32
        %dma_start3A_357 = tpu.memref_slice %arg8[%dma_start3A_355, %dma_start3A_356] : memref<1000x32xbf16, #tpu.memory_space<vmem>> -> memref<125x32xbf16, #tpu.memory_space<vmem>>
        %dma_start3A_358 = arith.constant 0 : i32
        %dma_start3A_359 = tpu.memref_slice %arg6[%add3A_354, %dma_start3A_358] : memref<40x125xi32, #tpu.memory_space<vmem>> -> memref<1x125xi32, #tpu.memory_space<vmem>>
        %dma_start3A_360 = tpu.memref_squeeze %dma_start3A_359 : memref<1x125xi32, #tpu.memory_space<vmem>> -> memref<125xi32, #tpu.memory_space<vmem>>
        %dma_start3A_361 = arith.constant 0 : i32
        %dma_start3A_362 = arith.constant 0 : i32
        %dma_start3A_363 = tpu.memref_slice %arg2[%dma_start3A_361, %dma_start3A_362] : memref<10000x32xbf16, #tpu.memory_space<hbm>> -> memref<10000x32xbf16, #tpu.memory_space<hbm>>
        tpu.enqueue_indirect_dma source(%dma_start3A_363 : memref<10000x32xbf16, #tpu.memory_space<hbm>>) target(%dma_start3A_357 : memref<125x32xbf16, #tpu.memory_space<vmem>>) offsets(%dma_start3A_360 : memref<125xi32, #tpu.memory_space<vmem>>) semaphore(%arg13 : memref<!tpu.dma_semaphore, #tpu.memory_space<semaphore_mem>>)
      } else {
      }
    }
    %scan3A_47 = arith.constant 5 : i32
    %dma_wait3A = arith.constant 32 : i32
    %dma_wait3A_48 = arith.constant 0 : i32
    %dma_wait3A_49 = arith.constant 0 : i32
    %dma_wait3A_50 = tpu.memref_slice %arg8[%dma_wait3A_48, %dma_wait3A_49] : memref<1000x32xbf16, #tpu.memory_space<vmem>> -> memref<125x32xbf16, #tpu.memory_space<vmem>>
    %dma_wait3A_51 = arith.constant 0 : i32
    %dma_wait3A_52 = tpu.memref_slice %arg7[%dma_wait3A, %dma_wait3A_51] : memref<40x125xi32, #tpu.memory_space<vmem>> -> memref<1x125xi32, #tpu.memory_space<vmem>>
    %dma_wait3A_53 = tpu.memref_squeeze %dma_wait3A_52 : memref<1x125xi32, #tpu.memory_space<vmem>> -> memref<125xi32, #tpu.memory_space<vmem>>
    %dma_wait3A_54 = arith.constant 0 : i32
    %dma_wait3A_55 = arith.constant 0 : i32
    %dma_wait3A_56 = tpu.memref_slice %arg9[%dma_wait3A_54, %dma_wait3A_55] : memref<10000x32xbf16, #tpu.memory_space<vmem_shared>> -> memref<10000x32xbf16, #tpu.memory_space<vmem_shared>>
    tpu.wait_indirect_dma semaphore(%arg18 : memref<!tpu.dma_semaphore, #tpu.memory_space<semaphore_mem>>) src(%dma_wait3A_50 : memref<125x32xbf16, #tpu.memory_space<vmem>>) dst(%dma_wait3A_56 : memref<10000x32xbf16, #tpu.memory_space<vmem_shared>>)
    %dma_wait3A_57 = arith.constant 33 : i32
    %dma_wait3A_58 = arith.constant 125 : i32
    %dma_wait3A_59 = arith.constant 0 : i32
    %dma_wait3A_60 = tpu.memref_slice %arg8[%dma_wait3A_58, %dma_wait3A_59] : memref<1000x32xbf16, #tpu.memory_space<vmem>> -> memref<125x32xbf16, #tpu.memory_space<vmem>>
    %dma_wait3A_61 = arith.constant 0 : i32
    %dma_wait3A_62 = tpu.memref_slice %arg7[%dma_wait3A_57, %dma_wait3A_61] : memref<40x125xi32, #tpu.memory_space<vmem>> -> memref<1x125xi32, #tpu.memory_space<vmem>>
    %dma_wait3A_63 = tpu.memref_squeeze %dma_wait3A_62 : memref<1x125xi32, #tpu.memory_space<vmem>> -> memref<125xi32, #tpu.memory_space<vmem>>
    %dma_wait3A_64 = arith.constant 0 : i32
    %dma_wait3A_65 = arith.constant 0 : i32
    %dma_wait3A_66 = tpu.memref_slice %arg9[%dma_wait3A_64, %dma_wait3A_65] : memref<10000x32xbf16, #tpu.memory_space<vmem_shared>> -> memref<10000x32xbf16, #tpu.memory_space<vmem_shared>>
    tpu.wait_indirect_dma semaphore(%arg19 : memref<!tpu.dma_semaphore, #tpu.memory_space<semaphore_mem>>) src(%dma_wait3A_60 : memref<125x32xbf16, #tpu.memory_space<vmem>>) dst(%dma_wait3A_66 : memref<10000x32xbf16, #tpu.memory_space<vmem_shared>>)
    %dma_wait3A_67 = arith.constant 34 : i32
    %dma_wait3A_68 = arith.constant 250 : i32
    %dma_wait3A_69 = arith.constant 0 : i32
    %dma_wait3A_70 = tpu.memref_slice %arg8[%dma_wait3A_68, %dma_wait3A_69] : memref<1000x32xbf16, #tpu.memory_space<vmem>> -> memref<125x32xbf16, #tpu.memory_space<vmem>>
    %dma_wait3A_71 = arith.constant 0 : i32
    %dma_wait3A_72 = tpu.memref_slice %arg7[%dma_wait3A_67, %dma_wait3A_71] : memref<40x125xi32, #tpu.memory_space<vmem>> -> memref<1x125xi32, #tpu.memory_space<vmem>>
    %dma_wait3A_73 = tpu.memref_squeeze %dma_wait3A_72 : memref<1x125xi32, #tpu.memory_space<vmem>> -> memref<125xi32, #tpu.memory_space<vmem>>
    %dma_wait3A_74 = arith.constant 0 : i32
    %dma_wait3A_75 = arith.constant 0 : i32
    %dma_wait3A_76 = tpu.memref_slice %arg9[%dma_wait3A_74, %dma_wait3A_75] : memref<10000x32xbf16, #tpu.memory_space<vmem_shared>> -> memref<10000x32xbf16, #tpu.memory_space<vmem_shared>>
    tpu.wait_indirect_dma semaphore(%arg20 : memref<!tpu.dma_semaphore, #tpu.memory_space<semaphore_mem>>) src(%dma_wait3A_70 : memref<125x32xbf16, #tpu.memory_space<vmem>>) dst(%dma_wait3A_76 : memref<10000x32xbf16, #tpu.memory_space<vmem_shared>>)
    %dma_wait3A_77 = arith.constant 35 : i32
    %dma_wait3A_78 = arith.constant 375 : i32
    %dma_wait3A_79 = arith.constant 0 : i32
    %dma_wait3A_80 = tpu.memref_slice %arg8[%dma_wait3A_78, %dma_wait3A_79] : memref<1000x32xbf16, #tpu.memory_space<vmem>> -> memref<125x32xbf16, #tpu.memory_space<vmem>>
    %dma_wait3A_81 = arith.constant 0 : i32
    %dma_wait3A_82 = tpu.memref_slice %arg7[%dma_wait3A_77, %dma_wait3A_81] : memref<40x125xi32, #tpu.memory_space<vmem>> -> memref<1x125xi32, #tpu.memory_space<vmem>>
    %dma_wait3A_83 = tpu.memref_squeeze %dma_wait3A_82 : memref<1x125xi32, #tpu.memory_space<vmem>> -> memref<125xi32, #tpu.memory_space<vmem>>
    %dma_wait3A_84 = arith.constant 0 : i32
    %dma_wait3A_85 = arith.constant 0 : i32
    %dma_wait3A_86 = tpu.memref_slice %arg9[%dma_wait3A_84, %dma_wait3A_85] : memref<10000x32xbf16, #tpu.memory_space<vmem_shared>> -> memref<10000x32xbf16, #tpu.memory_space<vmem_shared>>
    tpu.wait_indirect_dma semaphore(%arg21 : memref<!tpu.dma_semaphore, #tpu.memory_space<semaphore_mem>>) src(%dma_wait3A_80 : memref<125x32xbf16, #tpu.memory_space<vmem>>) dst(%dma_wait3A_86 : memref<10000x32xbf16, #tpu.memory_space<vmem_shared>>)
    %dma_wait3A_87 = arith.constant 36 : i32
    %dma_wait3A_88 = arith.constant 500 : i32
    %dma_wait3A_89 = arith.constant 0 : i32
    %dma_wait3A_90 = tpu.memref_slice %arg8[%dma_wait3A_88, %dma_wait3A_89] : memref<1000x32xbf16, #tpu.memory_space<vmem>> -> memref<125x32xbf16, #tpu.memory_space<vmem>>
    %dma_wait3A_91 = arith.constant 0 : i32
    %dma_wait3A_92 = tpu.memref_slice %arg7[%dma_wait3A_87, %dma_wait3A_91] : memref<40x125xi32, #tpu.memory_space<vmem>> -> memref<1x125xi32, #tpu.memory_space<vmem>>
    %dma_wait3A_93 = tpu.memref_squeeze %dma_wait3A_92 : memref<1x125xi32, #tpu.memory_space<vmem>> -> memref<125xi32, #tpu.memory_space<vmem>>
    %dma_wait3A_94 = arith.constant 0 : i32
    %dma_wait3A_95 = arith.constant 0 : i32
    %dma_wait3A_96 = tpu.memref_slice %arg9[%dma_wait3A_94, %dma_wait3A_95] : memref<10000x32xbf16, #tpu.memory_space<vmem_shared>> -> memref<10000x32xbf16, #tpu.memory_space<vmem_shared>>
    tpu.wait_indirect_dma semaphore(%arg22 : memref<!tpu.dma_semaphore, #tpu.memory_space<semaphore_mem>>) src(%dma_wait3A_90 : memref<125x32xbf16, #tpu.memory_space<vmem>>) dst(%dma_wait3A_96 : memref<10000x32xbf16, #tpu.memory_space<vmem_shared>>)
    %dma_wait3A_97 = arith.constant 37 : i32
    %dma_wait3A_98 = arith.constant 625 : i32
    %dma_wait3A_99 = arith.constant 0 : i32
    %dma_wait3A_100 = tpu.memref_slice %arg8[%dma_wait3A_98, %dma_wait3A_99] : memref<1000x32xbf16, #tpu.memory_space<vmem>> -> memref<125x32xbf16, #tpu.memory_space<vmem>>
    %dma_wait3A_101 = arith.constant 0 : i32
    %dma_wait3A_102 = tpu.memref_slice %arg7[%dma_wait3A_97, %dma_wait3A_101] : memref<40x125xi32, #tpu.memory_space<vmem>> -> memref<1x125xi32, #tpu.memory_space<vmem>>
    %dma_wait3A_103 = tpu.memref_squeeze %dma_wait3A_102 : memref<1x125xi32, #tpu.memory_space<vmem>> -> memref<125xi32, #tpu.memory_space<vmem>>
    %dma_wait3A_104 = arith.constant 0 : i32
    %dma_wait3A_105 = arith.constant 0 : i32
    %dma_wait3A_106 = tpu.memref_slice %arg9[%dma_wait3A_104, %dma_wait3A_105] : memref<10000x32xbf16, #tpu.memory_space<vmem_shared>> -> memref<10000x32xbf16, #tpu.memory_space<vmem_shared>>
    tpu.wait_indirect_dma semaphore(%arg23 : memref<!tpu.dma_semaphore, #tpu.memory_space<semaphore_mem>>) src(%dma_wait3A_100 : memref<125x32xbf16, #tpu.memory_space<vmem>>) dst(%dma_wait3A_106 : memref<10000x32xbf16, #tpu.memory_space<vmem_shared>>)
    %dma_wait3A_107 = arith.constant 38 : i32
    %dma_wait3A_108 = arith.constant 750 : i32
    %dma_wait3A_109 = arith.constant 0 : i32
    %dma_wait3A_110 = tpu.memref_slice %arg8[%dma_wait3A_108, %dma_wait3A_109] : memref<1000x32xbf16, #tpu.memory_space<vmem>> -> memref<125x32xbf16, #tpu.memory_space<vmem>>
    %dma_wait3A_111 = arith.constant 0 : i32
    %dma_wait3A_112 = tpu.memref_slice %arg7[%dma_wait3A_107, %dma_wait3A_111] : memref<40x125xi32, #tpu.memory_space<vmem>> -> memref<1x125xi32, #tpu.memory_space<vmem>>
    %dma_wait3A_113 = tpu.memref_squeeze %dma_wait3A_112 : memref<1x125xi32, #tpu.memory_space<vmem>> -> memref<125xi32, #tpu.memory_space<vmem>>
    %dma_wait3A_114 = arith.constant 0 : i32
    %dma_wait3A_115 = arith.constant 0 : i32
    %dma_wait3A_116 = tpu.memref_slice %arg9[%dma_wait3A_114, %dma_wait3A_115] : memref<10000x32xbf16, #tpu.memory_space<vmem_shared>> -> memref<10000x32xbf16, #tpu.memory_space<vmem_shared>>
    tpu.wait_indirect_dma semaphore(%arg24 : memref<!tpu.dma_semaphore, #tpu.memory_space<semaphore_mem>>) src(%dma_wait3A_110 : memref<125x32xbf16, #tpu.memory_space<vmem>>) dst(%dma_wait3A_116 : memref<10000x32xbf16, #tpu.memory_space<vmem_shared>>)
    %dma_wait3A_117 = arith.constant 39 : i32
    %dma_wait3A_118 = arith.constant 875 : i32
    %dma_wait3A_119 = arith.constant 0 : i32
    %dma_wait3A_120 = tpu.memref_slice %arg8[%dma_wait3A_118, %dma_wait3A_119] : memref<1000x32xbf16, #tpu.memory_space<vmem>> -> memref<125x32xbf16, #tpu.memory_space<vmem>>
    %dma_wait3A_121 = arith.constant 0 : i32
    %dma_wait3A_122 = tpu.memref_slice %arg7[%dma_wait3A_117, %dma_wait3A_121] : memref<40x125xi32, #tpu.memory_space<vmem>> -> memref<1x125xi32, #tpu.memory_space<vmem>>
    %dma_wait3A_123 = tpu.memref_squeeze %dma_wait3A_122 : memref<1x125xi32, #tpu.memory_space<vmem>> -> memref<125xi32, #tpu.memory_space<vmem>>
    %dma_wait3A_124 = arith.constant 0 : i32
    %dma_wait3A_125 = arith.constant 0 : i32
    %dma_wait3A_126 = tpu.memref_slice %arg9[%dma_wait3A_124, %dma_wait3A_125] : memref<10000x32xbf16, #tpu.memory_space<vmem_shared>> -> memref<10000x32xbf16, #tpu.memory_space<vmem_shared>>
    tpu.wait_indirect_dma semaphore(%arg25 : memref<!tpu.dma_semaphore, #tpu.memory_space<semaphore_mem>>) src(%dma_wait3A_120 : memref<125x32xbf16, #tpu.memory_space<vmem>>) dst(%dma_wait3A_126 : memref<10000x32xbf16, #tpu.memory_space<vmem_shared>>)
    %barrier3A_127 = arith.constant 0 : index
    tpu.barrier barrier_id(%barrier3A_127)
    "tpu.region"() ({
      %run_scoped3A_128 = tpu.sem_alloc : memref<!tpu.dma_semaphore, #tpu.memory_space<semaphore_mem>>
      %dma_start3A_129 = arith.constant 0 : i32
      %dma_start3A_130 = arith.constant 0 : i32
      %dma_start3A_131 = tpu.memref_slice %arg5[%arg0, %dma_start3A_129, %dma_start3A_130] : memref<2x10000x32xbf16, #tpu.memory_space<hbm>> -> memref<1x10000x32xbf16, #tpu.memory_space<hbm>>
      %dma_start3A_132 = tpu.memref_squeeze %dma_start3A_131 : memref<1x10000x32xbf16, #tpu.memory_space<hbm>> -> memref<10000x32xbf16, #tpu.memory_space<hbm>>
      %dma_start3A_133 = arith.constant 0 : i32
      %dma_start3A_134 = tpu.memref_slice %dma_start3A_132[%multiple_of3A, %dma_start3A_133] : memref<10000x32xbf16, #tpu.memory_space<hbm>> -> memref<640x32xbf16, #tpu.memory_space<hbm>>
      %dma_start3A_135 = arith.constant 0 : i32
      %dma_start3A_136 = tpu.memref_slice %arg9[%multiple_of3A, %dma_start3A_135] : memref<10000x32xbf16, #tpu.memory_space<vmem_shared>> -> memref<640x32xbf16, #tpu.memory_space<vmem_shared>>
      tpu.enqueue_dma source(%dma_start3A_136 : memref<640x32xbf16, #tpu.memory_space<vmem_shared>>) target(%dma_start3A_134 : memref<640x32xbf16, #tpu.memory_space<hbm>>) target_semaphore(%run_scoped3A_128 : memref<!tpu.dma_semaphore, #tpu.memory_space<semaphore_mem>>)
      %dma_wait3A_137 = arith.constant 0 : i32
      %dma_wait3A_138 = arith.constant 0 : i32
      %dma_wait3A_139 = tpu.memref_slice %arg5[%arg0, %dma_wait3A_137, %dma_wait3A_138] : memref<2x10000x32xbf16, #tpu.memory_space<hbm>> -> memref<1x10000x32xbf16, #tpu.memory_space<hbm>>
      %dma_wait3A_140 = tpu.memref_squeeze %dma_wait3A_139 : memref<1x10000x32xbf16, #tpu.memory_space<hbm>> -> memref<10000x32xbf16, #tpu.memory_space<hbm>>
      %dma_wait3A_141 = arith.constant 0 : i32
      %dma_wait3A_142 = tpu.memref_slice %dma_wait3A_140[%multiple_of3A, %dma_wait3A_141] : memref<10000x32xbf16, #tpu.memory_space<hbm>> -> memref<640x32xbf16, #tpu.memory_space<hbm>>
      %dma_wait3A_143 = arith.constant 0 : i32
      %dma_wait3A_144 = tpu.memref_slice %arg9[%multiple_of3A, %dma_wait3A_143] : memref<10000x32xbf16, #tpu.memory_space<vmem_shared>> -> memref<640x32xbf16, #tpu.memory_space<vmem_shared>>
      tpu.wait_dma2 semaphore(%run_scoped3A_128 : memref<!tpu.dma_semaphore, #tpu.memory_space<semaphore_mem>>) src(%dma_wait3A_144 : memref<640x32xbf16, #tpu.memory_space<vmem_shared>>) dst(%dma_wait3A_142 : memref<640x32xbf16, #tpu.memory_space<hbm>>)
      tpu.yield
    }) : () -> ()
    return
  }
}

module attributes {stable_mosaic.version = 14 : i64} {
  func.func @_tc0_body(%arg0: memref<10000x256xf32, #tpu.memory_space<vmem>>, %arg1: memref<256x32xf32, #tpu.memory_space<vmem>>, %arg2: memref<256x32xf32, #tpu.memory_space<vmem>>, %arg3: memref<1x32xf32, #tpu.memory_space<vmem>>, %arg4: memref<10000x32xbf16, #tpu.memory_space<vmem>>, %arg5: memref<10000x32xbf16, #tpu.memory_space<vmem>>) attributes {dimension_semantics = [], scalar_prefetch = 0 : i64, scratch_operands = 0 : i64, tpu.core_type = #tpu.core_type<tc>} {
    %get3A = arith.constant 0 : index
    %get3A_0 = arith.constant 0 : index
    %get3A_1 = vector.load %arg0[%get3A, %get3A_0] : memref<10000x256xf32, #tpu.memory_space<vmem>>, vector<10000x256xf32>
    %convert_element_type3A = arith.truncf %get3A_1 : vector<10000x256xf32> to vector<10000x256xbf16>
    %get3A_2 = arith.constant 0 : index
    %get3A_3 = arith.constant 0 : index
    %get3A_4 = vector.load %arg1[%get3A_2, %get3A_3] : memref<256x32xf32, #tpu.memory_space<vmem>>, vector<256x32xf32>
    %convert_element_type3A_5 = arith.truncf %get3A_4 : vector<256x32xf32> to vector<256x32xbf16>
    %dot_general3A = arith.constant dense<0.000000e+00> : vector<10000x32xf32>
    %dot_general3A_6 = tpu.matmul %convert_element_type3A, %convert_element_type3A_5, %dot_general3A {dimension_numbers = #tpu.dot_dimension_numbers<[1], [0], [0], [1], [0, 0, 1, 1], [], []>, transpose_lhs_hint = false} : vector<10000x256xbf16>, vector<256x32xbf16>, vector<10000x32xf32> -> vector<10000x32xf32>
    %convert_element_type3A_7 = arith.truncf %dot_general3A_6 : vector<10000x32xf32> to vector<10000x32xbf16>
    %swap3A = arith.constant 0 : index
    %swap3A_8 = arith.constant 0 : index
    %swap3A_9 = vector.load %arg4[%swap3A, %swap3A_8] : memref<10000x32xbf16, #tpu.memory_space<vmem>>, vector<10000x32xbf16>
    tpu.vector_store %arg4[%swap3A, %swap3A_8], %convert_element_type3A_7 {strides = array<i32>} : memref<10000x32xbf16, #tpu.memory_space<vmem>>, vector<10000x32xbf16>,
    %get3A_10 = arith.constant 0 : index
    %get3A_11 = arith.constant 0 : index
    %get3A_12 = vector.load %arg2[%get3A_10, %get3A_11] : memref<256x32xf32, #tpu.memory_space<vmem>>, vector<256x32xf32>
    %convert_element_type3A_13 = arith.truncf %get3A_12 : vector<256x32xf32> to vector<256x32xbf16>
    %dot_general3A_14 = arith.constant dense<0.000000e+00> : vector<10000x32xf32>
    %dot_general3A_15 = tpu.matmul %convert_element_type3A, %convert_element_type3A_13, %dot_general3A_14 {dimension_numbers = #tpu.dot_dimension_numbers<[1], [0], [0], [1], [0, 0, 1, 1], [], []>, transpose_lhs_hint = false} : vector<10000x256xbf16>, vector<256x32xbf16>, vector<10000x32xf32> -> vector<10000x32xf32>
    %get3A_16 = arith.constant 0 : index
    %get3A_17 = arith.constant 0 : index
    %get3A_18 = vector.load %arg3[%get3A_16, %get3A_17] : memref<1x32xf32, #tpu.memory_space<vmem>>, vector<1x32xf32>
    %add3A = vector.broadcast %get3A_18 : vector<1x32xf32> to vector<10000x32xf32>
    %add3A_19 = arith.addf %dot_general3A_15, %add3A : vector<10000x32xf32>
    %convert_element_type3A_20 = arith.truncf %add3A_19 : vector<10000x32xf32> to vector<10000x32xbf16>
    %swap3A_21 = arith.constant 0 : index
    %swap3A_22 = arith.constant 0 : index
    %swap3A_23 = vector.load %arg5[%swap3A_21, %swap3A_22] : memref<10000x32xbf16, #tpu.memory_space<vmem>>, vector<10000x32xbf16>
    tpu.vector_store %arg5[%swap3A_21, %swap3A_22], %convert_element_type3A_20 {strides = array<i32>} : memref<10000x32xbf16, #tpu.memory_space<vmem>>, vector<10000x32xbf16>,
    return
  }
}

module attributes {stable_mosaic.version = 14 : i64} {
  func.func @_tc1_body(%arg0: memref<10000x32xbf16, #tpu.memory_space<vmem>>, %arg1: memref<32x10000xi32, #tpu.memory_space<vmem>>, %arg2: memref<10000x32xbf16, #tpu.memory_space<vmem>>) attributes {dimension_semantics = [], scalar_prefetch = 0 : i64, scratch_operands = 0 : i64, tpu.core_type = #tpu.core_type<tc>} {
    %get3A = arith.constant 0 : index
    %get3A_0 = arith.constant 0 : index
    %get3A_1 = vector.load %arg1[%get3A, %get3A_0] : memref<32x10000xi32, #tpu.memory_space<vmem>>, vector<32x10000xi32>
    %and3A = arith.constant 65535 : i32
    %and3A_2 = vector.broadcast %and3A : i32 to vector<32x10000xi32>
    %and3A_3 = arith.andi %get3A_1, %and3A_2 : vector<32x10000xi32>
    %convert_element_type3A = arith.sitofp %and3A_3 : vector<32x10000xi32> to vector<32x10000xf32>
    %broadcast_in_dim3A = arith.constant 1.000000e+00 : f32
    %broadcast_in_dim3A_4 = vector.broadcast %broadcast_in_dim3A : f32 to vector<32x1xf32>
    %dot_general3A = arith.constant dense<0.000000e+00> : vector<10000x1xf32>
    %dot_general3A_5 = tpu.matmul %convert_element_type3A, %broadcast_in_dim3A_4, %dot_general3A {dimension_numbers = #tpu.dot_dimension_numbers<[0], [0], [1], [1], [0, 1, 1, 1], [], []>, transpose_lhs_hint = false} : vector<32x10000xf32>, vector<32x1xf32>, vector<10000x1xf32> -> vector<10000x1xf32>
    %max3A = arith.constant 1.000000e+00 : f32
    %max3A_6 = vector.broadcast %max3A : f32 to vector<10000x1xf32>
    %max3A_7 = arith.maximumf %dot_general3A_5, %max3A_6 : vector<10000x1xf32>
    %rsqrt3A = math.rsqrt %max3A_7 : vector<10000x1xf32>
    %get3A_8 = arith.constant 0 : index
    %get3A_9 = arith.constant 0 : index
    %get3A_10 = vector.load %arg0[%get3A_8, %get3A_9] : memref<10000x32xbf16, #tpu.memory_space<vmem>>, vector<10000x32xbf16>
    %convert_element_type3A_11 = arith.extf %get3A_10 : vector<10000x32xbf16> to vector<10000x32xf32>
    %mul3A = vector.broadcast %rsqrt3A : vector<10000x1xf32> to vector<10000x32xf32>
    %mul3A_12 = arith.mulf %convert_element_type3A_11, %mul3A : vector<10000x32xf32>
    %convert_element_type3A_13 = arith.truncf %mul3A_12 : vector<10000x32xf32> to vector<10000x32xbf16>
    %swap3A = arith.constant 0 : index
    %swap3A_14 = arith.constant 0 : index
    %swap3A_15 = vector.load %arg2[%swap3A, %swap3A_14] : memref<10000x32xbf16, #tpu.memory_space<vmem>>, vector<10000x32xbf16>
    tpu.vector_store %arg2[%swap3A, %swap3A_14], %convert_element_type3A_13 {strides = array<i32>} : memref<10000x32xbf16, #tpu.memory_space<vmem>>, vector<10000x32xbf16>,
    return
  }
}

module attributes {stable_mosaic.version = 14 : i64} {
  func.func @_tc2_body(%arg0: memref<2x10000x32xbf16, #tpu.memory_space<vmem>>, %arg1: memref<32x10000xi32, #tpu.memory_space<vmem>>, %arg2: memref<10000x32xbf16, #tpu.memory_space<vmem>>, %arg3: memref<1x10000xi32, #tpu.memory_space<vmem>>, %arg4: memref<32x4xf32, #tpu.memory_space<vmem>>, %arg5: memref<1x4xf32, #tpu.memory_space<vmem>>, %arg6: memref<64x4xf32, #tpu.memory_space<vmem>>) attributes {dimension_semantics = [], scalar_prefetch = 0 : i64, scratch_operands = 0 : i64, tpu.core_type = #tpu.core_type<tc>} {
    %get3A = arith.constant 0 : index
    %get3A_0 = arith.constant 0 : index
    %get3A_1 = vector.load %arg1[%get3A, %get3A_0] : memref<32x10000xi32, #tpu.memory_space<vmem>>, vector<32x10000xi32>
    %shift_right_logical3A = arith.constant 16 : i32
    %shift_right_logical3A_2 = vector.broadcast %shift_right_logical3A : i32 to vector<32x10000xi32>
    %shift_right_logical3A_3 = arith.shrui %get3A_1, %shift_right_logical3A_2 : vector<32x10000xi32>
    %convert_element_type3A = arith.sitofp %shift_right_logical3A_3 : vector<32x10000xi32> to vector<32x10000xf32>
    %broadcast_in_dim3A = arith.constant 1.000000e+00 : f32
    %broadcast_in_dim3A_4 = vector.broadcast %broadcast_in_dim3A : f32 to vector<32x1xf32>
    %dot_general3A = arith.constant dense<0.000000e+00> : vector<10000x1xf32>
    %dot_general3A_5 = tpu.matmul %convert_element_type3A, %broadcast_in_dim3A_4, %dot_general3A {dimension_numbers = #tpu.dot_dimension_numbers<[0], [0], [1], [1], [0, 1, 1, 1], [], []>, transpose_lhs_hint = false} : vector<32x10000xf32>, vector<32x1xf32>, vector<10000x1xf32> -> vector<10000x1xf32>
    %max3A = arith.constant 1.000000e+00 : f32
    %max3A_6 = vector.broadcast %max3A : f32 to vector<10000x1xf32>
    %max3A_7 = arith.maximumf %dot_general3A_5, %max3A_6 : vector<10000x1xf32>
    %rsqrt3A = math.rsqrt %max3A_7 : vector<10000x1xf32>
    %get3A_8 = arith.constant 0 : index
    %get3A_9 = arith.constant 0 : index
    %get3A_10 = arith.constant 0 : index
    %get3A_11 = vector.load %arg0[%get3A_8, %get3A_9, %get3A_10] : memref<2x10000x32xbf16, #tpu.memory_space<vmem>>, vector<1x10000x32xbf16>
    %get3A_12 = vector.shape_cast %get3A_11 : vector<1x10000x32xbf16> to vector<10000x32xbf16>
    %convert_element_type3A_13 = arith.extf %get3A_12 : vector<10000x32xbf16> to vector<10000x32xf32>
    %get3A_14 = arith.constant 1 : index
    %get3A_15 = arith.constant 0 : index
    %get3A_16 = arith.constant 0 : index
    %get3A_17 = vector.load %arg0[%get3A_14, %get3A_15, %get3A_16] : memref<2x10000x32xbf16, #tpu.memory_space<vmem>>, vector<1x10000x32xbf16>
    %get3A_18 = vector.shape_cast %get3A_17 : vector<1x10000x32xbf16> to vector<10000x32xbf16>
    %convert_element_type3A_19 = arith.extf %get3A_18 : vector<10000x32xbf16> to vector<10000x32xf32>
    %add3A = arith.addf %convert_element_type3A_13, %convert_element_type3A_19 : vector<10000x32xf32>
    %mul3A = vector.broadcast %rsqrt3A : vector<10000x1xf32> to vector<10000x32xf32>
    %mul3A_20 = arith.mulf %mul3A, %add3A : vector<10000x32xf32>
    %get3A_21 = arith.constant 0 : index
    %get3A_22 = arith.constant 0 : index
    %get3A_23 = vector.load %arg2[%get3A_21, %get3A_22] : memref<10000x32xbf16, #tpu.memory_space<vmem>>, vector<10000x32xbf16>
    %convert_element_type3A_24 = arith.extf %get3A_23 : vector<10000x32xbf16> to vector<10000x32xf32>
    %add3A_25 = arith.addf %mul3A_20, %convert_element_type3A_24 : vector<10000x32xf32>
    %logistic3A = arith.negf %add3A_25 : vector<10000x32xf32>
    %logistic3A_26 = math.exp %logistic3A : vector<10000x32xf32>
    %logistic3A_27 = arith.constant 1.000000e+00 : f32
    %logistic3A_28 = vector.broadcast %logistic3A_27 : f32 to vector<10000x32xf32>
    %logistic3A_29 = arith.addf %logistic3A_28, %logistic3A_26 : vector<10000x32xf32>
    %logistic3A_30 = arith.divf %logistic3A_28, %logistic3A_29 : vector<10000x32xf32>
    %iota3A = tpu.iota {dimensions = array<i32: 0>} : vector<64x10000xi32>
    %get3A_31 = arith.constant 0 : index
    %get3A_32 = arith.constant 0 : index
    %get3A_33 = vector.load %arg3[%get3A_31, %get3A_32] : memref<1x10000xi32, #tpu.memory_space<vmem>>, vector<1x10000xi32>
    %eq3A = vector.broadcast %get3A_33 : vector<1x10000xi32> to vector<64x10000xi32>
    %eq3A_34 = arith.cmpi eq, %iota3A, %eq3A : vector<64x10000xi32>
    %convert_element_type3A_35 = arith.extui %eq3A_34 : vector<64x10000xi1> to vector<64x10000xi32>
    %convert_element_type3A_36 = arith.sitofp %convert_element_type3A_35 : vector<64x10000xi32> to vector<64x10000xf32>
    %convert_element_type3A_37 = arith.truncf %convert_element_type3A_36 : vector<64x10000xf32> to vector<64x10000xbf16>
    %convert_element_type3A_38 = arith.truncf %logistic3A_30 : vector<10000x32xf32> to vector<10000x32xbf16>
    %dot_general3A_39 = arith.constant dense<0.000000e+00> : vector<64x32xf32>
    %dot_general3A_40 = tpu.matmul %convert_element_type3A_37, %convert_element_type3A_38, %dot_general3A_39 {dimension_numbers = #tpu.dot_dimension_numbers<[1], [0], [0], [1], [0, 0, 1, 1], [], []>, transpose_lhs_hint = false} : vector<64x10000xbf16>, vector<10000x32xbf16>, vector<64x32xf32> -> vector<64x32xf32>
    %broadcast_in_dim3A_41 = arith.constant 1.000000e+00 : bf16
    %broadcast_in_dim3A_42 = vector.broadcast %broadcast_in_dim3A_41 : bf16 to vector<10000x1xbf16>
    %dot_general3A_43 = arith.constant dense<0.000000e+00> : vector<64x1xf32>
    %dot_general3A_44 = tpu.matmul %convert_element_type3A_37, %broadcast_in_dim3A_42, %dot_general3A_43 {dimension_numbers = #tpu.dot_dimension_numbers<[1], [0], [0], [1], [0, 0, 1, 1], [], []>, transpose_lhs_hint = false} : vector<64x10000xbf16>, vector<10000x1xbf16>, vector<64x1xf32> -> vector<64x1xf32>
    %max3A_45 = arith.constant 1.000000e+00 : f32
    %max3A_46 = vector.broadcast %max3A_45 : f32 to vector<64x1xf32>
    %max3A_47 = arith.maximumf %dot_general3A_44, %max3A_46 : vector<64x1xf32>
    %div3A = vector.broadcast %max3A_47 : vector<64x1xf32> to vector<64x32xf32>
    %div3A_48 = arith.divf %dot_general3A_40, %div3A : vector<64x32xf32>
    %get3A_49 = arith.constant 0 : index
    %get3A_50 = arith.constant 0 : index
    %get3A_51 = vector.load %arg4[%get3A_49, %get3A_50] : memref<32x4xf32, #tpu.memory_space<vmem>>, vector<32x4xf32>
    %dot_general3A_52 = arith.constant dense<0.000000e+00> : vector<64x4xf32>
    %dot_general3A_53 = tpu.matmul %div3A_48, %get3A_51, %dot_general3A_52 {dimension_numbers = #tpu.dot_dimension_numbers<[1], [0], [0], [1], [0, 0, 1, 1], [], []>, transpose_lhs_hint = false} : vector<64x32xf32>, vector<32x4xf32>, vector<64x4xf32> -> vector<64x4xf32>
    %get3A_54 = arith.constant 0 : index
    %get3A_55 = arith.constant 0 : index
    %get3A_56 = vector.load %arg5[%get3A_54, %get3A_55] : memref<1x4xf32, #tpu.memory_space<vmem>>, vector<1x4xf32>
    %add3A_57 = vector.broadcast %get3A_56 : vector<1x4xf32> to vector<64x4xf32>
    %add3A_58 = arith.addf %dot_general3A_53, %add3A_57 : vector<64x4xf32>
    %reduce_max3A = arith.constant dense<0xFF800000> : vector<64xf32>
    %reduce_max3A_59 = vector.multi_reduction <maximumf>, %add3A_58, %reduce_max3A [1] : vector<64x4xf32> to vector<64xf32>
    %broadcast_in_dim3A_60 = vector.shape_cast %reduce_max3A_59 : vector<64xf32> to vector<64x1xf32>
    %sub3A = vector.broadcast %broadcast_in_dim3A_60 : vector<64x1xf32> to vector<64x4xf32>
    %sub3A_61 = arith.subf %add3A_58, %sub3A : vector<64x4xf32>
    %exp3A = math.exp %sub3A_61 : vector<64x4xf32>
    %reduce_sum3A = arith.constant dense<0.000000e+00> : vector<64xf32>
    %reduce_sum3A_62 = vector.multi_reduction <add>, %exp3A, %reduce_sum3A [1] : vector<64x4xf32> to vector<64xf32>
    %broadcast_in_dim3A_63 = vector.shape_cast %reduce_sum3A_62 : vector<64xf32> to vector<64x1xf32>
    %div3A_64 = vector.broadcast %broadcast_in_dim3A_63 : vector<64x1xf32> to vector<64x4xf32>
    %div3A_65 = arith.divf %exp3A, %div3A_64 : vector<64x4xf32>
    %swap3A = arith.constant 0 : index
    %swap3A_66 = arith.constant 0 : index
    %swap3A_67 = vector.load %arg6[%swap3A, %swap3A_66] : memref<64x4xf32, #tpu.memory_space<vmem>>, vector<64x4xf32>
    tpu.vector_store %arg6[%swap3A, %swap3A_66], %div3A_65 {strides = array<i32>} : memref<64x4xf32, #tpu.memory_space<vmem>>, vector<64x4xf32>,
    return
  }
}

</mosaic_0001>

<sc_bundles>
// kernel: kernel.10.cloned.1.call-start
scs
__scs_entry_jumppad:
0x0: {  	(pc) =	sbr.rel $0x88, $3  }
0x1: {  	(tag) =	ssettag $0x0;
	lr =	simm.s32 $0x1  }
0x2: {  	[smem:$0x3F99] =	sst lr;
	_ =	strace $0xD0000000  }
0x3: {  	_ = 	snop  }
0x4: {  	_ = 	snop  }
0x5: {  	_ = 	snop  }
0x6: {  	_ = 	snop  }
0x7: {  	_ = 	snop  }
__scs_overlays_trampoline_lowered:
0x8: {  	[smem:$0x3FA8] =	sst s0  }
0x9: {  	[smem:$0x3FA9] =	sst s1  }
0xa: {  	[smem:$0x3FAA] =	sst s2  }
0xb: {  	[smem:$0x3FAB] =	sst s3  }
0xc: {  	[smem:$0x3FAC] =	sst s4  }
0xd: {  	[smem:$0x3FAD] =	sst s5  }
0xe: {  	[smem:$0x3FAE] =	sst s6  }
0xf: {  	[smem:$0x3FAF] =	sst s7  }
0x10: {  	[smem:$0x3FB0] =	sst s8  }
0x11: {  	[smem:$0x3FB1] =	sst s9;
	s0 =	simm.s32 @!p0 $0x0  }
0x12: {  	s1 =	sld [smem:$0x3F97];
	s0 =	simm.s32 @p0 $0x1  }
0x13: {  	[smem:$0x3FB2] =	sst s0;
	s0 =	simm.s32 @!p1 $0x0  }
0x14: {  	s2 =	sld [smem:$0x3F96];
	s0 =	simm.s32 @p1 $0x1  }
0x15: {  	[smem:$0x3FB3] =	sst s0;
	s0 =	simm.s32 @!p2 $0x0  }
0x16: {  	s3 =	sld [smem:$0x3FDB];
	s0 =	simm.s32 @p2 $0x1  }
0x17: {  	s4 =	simm.s32 $0x1BF5;
	[smem:$0x3FB5] =	sst s0  }
0x18: {  	s0 =	sld [smem:$0x3F98];
	_ =	swait.ge [sflag:s4], $0x0  }
0x19: {  	s7 =	sld [smem:$0x3F99]  }
0x1a: {  	s8 =	sadd.s32 $0xFFFFE003, lr  }
0x1b: {  	s9 =	sadd.s32 $0xFFFFFEF7, lr;
	s5 =	simm.s32 $0xFFFFFFFF;
	p2 =	slt.u32 s8, $0xFFFFF086  }
0x1c: {  	p1 =	slt.u32 s9, $0xF7A;
	s5 =	simm.s32 @!p2 $0x0  }
0x1d: {  	s5 =	simm.s32 @p1 $0x1;
	p0 =	seq.s32 s7, s2  }
0x1e: {  	s7 =	smul.u32 @!p0 $0xF7A, s2;
	p2 =	seq.s32 @!p0 s5, $0x0  }
0x1f: {  	s9 =	smul.u32 $0xF7A, s1;
	s8 =	simm.s32 @!p0 $0x1BF5;
	p2 =	por !p2, p0  }
0x20: {  	[sflag:s8] =	ssyncset.s32 @!p0 $0xFFFFF086;
	s6 =	sadd.s32 @!p0 s3, s7;
	s7 =	simm.s32 @!p0 $0x108  }
0x21: {  	s3 =	sadd.s32 s3, s9;
	s6 =	sadd.s32 @!p0 $0x88, s6;
	s7 =	simm.s32 @p2 $0x1082  }
0x22: {  	[simem:s7], [sflag:s8] =	dma.local @!p0 [hbm:s6], $0xF7A  }
0x23: {  	s9 =	sor.u32 $0xD0000000, s2;
	s6 =	simm.s32 $0x108;
	_ =	swait.ge @!p0 [sflag:s8], $0x0  }
0x24: {  	s3 =	sadd.s32 $0x88, s3;
	s6 =	simm.s32 @!p1 $0x1082;
	[sflag:s4] =	ssyncset.s32 $0xFFFFF086  }
0x25: {  	[simem:s6], [sflag:s4] =	dma.local [hbm:s3], $0xF7A  }
0x26: {  	[smem:$0x3F99] =	sst s1;
	(tag) =	ssettag s2;
	_ =	strace s9  }
0x27: {  	s1 =	sld [smem:$0x3FA9]  }
0x28: {  	s2 =	sld [smem:$0x3FAA]  }
0x29: {  	s4 =	sld [smem:$0x3FAC]  }
0x2a: {  	p0 =	seq.s32 s5, $0x0;
	s5 =	sld [smem:$0x3FAD]  }
0x2b: {  	s6 =	sld [smem:$0x3FAE]  }
0x2c: {  	s7 =	sld [smem:$0x3FAF]  }
0x2d: {  	s3 =	simm.s32 $0x108;
	s8 =	sld [smem:$0x3FB0]  }
0x2e: {  	s3 =	simm.s32 @!p0 $0x1082;
	s9 =	sld [smem:$0x3FB1]  }
0x2f: {  	lr =	sadd.s32 s0, s3;
	s0 =	sld [smem:$0x3FA8]  }
0x30: {  	s3 =	sld [smem:$0x3FAB]  }
0x31: {  	[smem:$0x3FB4] =	sst s10  }
0x32: {  	s10 =	sld [smem:$0x3FB2];
	_ =	sdelay $0x3  }
0x33: {  	p0 =	seq.s32 s10, $0x1;
	s10 =	sld [smem:$0x3FB4];
	_ =	sdelay $0x3  }
0x34: {  	[smem:$0x3FB4] =	sst s10  }
0x35: {  	s10 =	sld [smem:$0x3FB3];
	_ =	sdelay $0x3  }
0x36: {  	p1 =	seq.s32 s10, $0x1;
	s10 =	sld [smem:$0x3FB4];
	_ =	sdelay $0x3  }
0x37: {  	[smem:$0x3FB4] =	sst s10  }
0x38: {  	s10 =	sld [smem:$0x3FB5]  }
0x39: {  	_ = 	snop;
	(pc) =	sbr.ind lr, $3  }
0x3a: {  	_ = 	snop  }
0x3b: {  	_ = 	snop  }
0x3c: {  	p2 =	seq.s32 s10, $0x1;
	s10 =	sld [smem:$0x3FB4]  }
0x3d: {  	_ =	shalt  }
0x3e: {  	_ =	shalt  }
0x3f: {  	_ =	shalt  }
0x40: {  	_ =	shalt  }
0x41: {  	_ =	shalt  }
0x42: {  	_ =	shalt  }
0x43: {  	_ =	shalt  }
0x44: {  	_ =	shalt  }
0x45: {  	_ =	shalt  }
0x46: {  	_ =	shalt  }
0x47: {  	_ =	shalt  }
0x48: {  	_ =	shalt  }
0x49: {  	_ =	shalt  }
0x4a: {  	_ =	shalt  }
0x4b: {  	_ =	shalt  }
0x4c: {  	_ =	shalt  }
0x4d: {  	_ =	shalt  }
0x4e: {  	_ =	shalt  }
0x4f: {  	_ =	shalt  }
0x50: {  	_ =	shalt  }
0x51: {  	_ =	shalt  }
0x52: {  	_ =	shalt  }
0x53: {  	_ =	shalt  }
0x54: {  	_ =	shalt  }
0x55: {  	_ =	shalt  }
0x56: {  	_ =	shalt  }
0x57: {  	_ =	shalt  }
0x58: {  	_ =	shalt  }
0x59: {  	_ =	shalt  }
0x5a: {  	_ =	shalt  }
0x5b: {  	_ =	shalt  }
0x5c: {  	_ =	shalt  }
0x5d: {  	_ =	shalt  }
0x5e: {  	_ =	shalt  }
0x5f: {  	_ =	shalt  }
0x60: {  	_ =	shalt  }
0x61: {  	_ =	shalt  }
0x62: {  	_ =	shalt  }
0x63: {  	_ =	shalt  }
0x64: {  	_ =	shalt  }
0x65: {  	_ =	shalt  }
0x66: {  	_ =	shalt  }
0x67: {  	_ =	shalt  }
0x68: {  	_ =	shalt  }
0x69: {  	_ =	shalt  }
0x6a: {  	_ =	shalt  }
0x6b: {  	_ =	shalt  }
0x6c: {  	_ =	shalt  }
0x6d: {  	_ =	shalt  }
0x6e: {  	_ =	shalt  }
0x6f: {  	_ =	shalt  }
0x70: {  	_ =	shalt  }
0x71: {  	_ =	shalt  }
0x72: {  	_ =	shalt  }
0x73: {  	_ =	shalt  }
0x74: {  	_ =	shalt  }
0x75: {  	_ =	shalt  }
0x76: {  	_ =	shalt  }
0x77: {  	_ =	shalt  }
0x78: {  	_ =	shalt  }
0x79: {  	_ =	shalt  }
0x7a: {  	_ =	shalt  }
0x7b: {  	_ =	shalt  }
0x7c: {  	_ =	shalt  }
0x7d: {  	_ =	shalt  }
0x7e: {  	_ =	shalt  }
0x7f: {  	_ =	shalt  }
0x80: {  	_ =	shalt  }
0x81: {  	_ =	shalt  }
0x82: {  	_ =	shalt  }
0x83: {  	_ =	shalt  }
0x84: {  	_ =	shalt  }
0x85: {  	_ =	shalt  }
0x86: {  	_ =	shalt  }
0x87: {  	_ =	shalt  }
.Lfunc_end0:
.L_simem_size_0:
called_computation.1_lowered:
.L_overlay_start_0:
0x88: {  	s2 =	sld [smem:$0x3FD9]  }
0x89: {  	s3 =	sld [smem:$0x3FFE];
	_ =	sdelay $0x1  }
0x8a: {  	s1 =	srdreg.scid  }
0x8b: {  	s0 =	sand.u32 $0x1, s1  }
0x8c: {  	s16 =	sshll.u32 s0, $0xA;
	s2 =	sadd.s32 s3, s2  }
0x8d: {  	s2 =	sadd.s32 s2, s16  }
0x8e: {  	[smem:$0x3FC0] =	sst s2  }
0x8f: {  	_ = 	snop  }
0x90: {  	(tm) =	ssettm $0x1  }
0x91: {  	s17 =	sld [smem:$0x3FFB];
	_ =	sdelay $0x3  }
0x92: {  	_ =	strace s17  }
0x93: {  	s2 =	sld [smem:$0x3FFC];
	_ =	sdelay $0x3  }
0x94: {  	_ =	strace s2  }
0x95: {  	s2 =	sld [smem:$0x3FFD];
	_ =	sdelay $0x3  }
0x96: {  	_ =	strace s2  }
0x97: {  	_ =	strace $0x8FFFFFFF  }
0x98: {  	s18 =	sld [smem:$0x3FDB];
	_ =	sdelay $0x1  }
0x99: {  	s19 =	simm.s32 $_scs_section_size  }
0x9a: {  	s4 =	simm.s32 $_size__tile_overlayer_lowered;
	s5 =	simm.s32 $_tile_overlayer_lowered  }
0x9b: {  	s22 =	simm.s32 $0x1BFF;
	s21 =	sshll.u32 s5, $0x1;
	s2 =	sadd.s32 s19, s18  }
0x9c: {  	s6 =	simm.s32 $0x0;
	s20 =	sshll.u32 s4, $0x1;
	s4 =	sadd.s32 s21, s2  }
0x9d: {  	[timem:s6], [sflag:s22] =	dma.local [hbm:s4], s20  }
0x9e: {  	_ =	swait.ge [sflag:s22], s20  }
0x9f: {  	s3 =	ssub.s32 $0x0, s20;
	[sflag:s22] =	ssyncset.done $0x0  }
0xa0: {  	[sflag:s22] =	ssyncadd.s32 s3;
	_ =	sdelay $0x1  }
0xa1: {  	s23 =	simm.s32 $0x1B8B  }
0xa2: {  	_ =	swait.ge [sflag:s23], $0x1  }
0xa3: {  	[sflag:s23] =	ssyncset.done $0x0  }
0xa4: {  	s25 =	simm.s32 $0x1B8E;
	s24 =	sld [smem:$0x3FFE];
	[sflag:s23] =	ssyncadd.s32 $0xFFFFFFFF  }
0xa5: {  	s26 =	simm.s32 $execute0_lowered;
	[smem:$0x3FD2] =	sst s25  }
0xa6: {  	s4 =	sshll.u32 s26, $0x1;
	_ =	strace $0x80000049;
	[dreg:$0x1] =	wrdreg $0xFFFFFFFF  }
0xa7: {  	s28 =	simm.s32 $_size_execute0_lowered;
	s2 =	sadd.s32 s2, s4;
	[dreg:$0x0] =	wrdreg $0x0  }
0xa8: {  	s4 =	sshll.u32 s28, $0x1;
	[dreg:$0x2] =	wrdreg s2  }
0xa9: {  	[dreg:$0x3] =	wrdreg s4  }
0xaa: {  	[dreg:$0x4] =	wrdreg $0xC0  }
0xab: {  	_ =	task [dreg:s6], $0x5FFFF  }
0xac: {  	[dreg:$0x1] =	wrdreg $0xFFFFFFFF  }
0xad: {  	[dreg:$0x0] =	wrdreg $0x60  }
0xae: {  	[dreg:$0x2] =	wrdreg s24  }
0xaf: {  	[dreg:$0x3] =	wrdreg $0x66800  }
0xb0: {  	[dreg:$0x4] =	wrdreg $0x9  }
0xb1: {  	_ =	task.clear_ibuf [dreg:s6], $0x5FFFF;
	_ =	strace $0x90000049  }
0xb2: {  	s29 =	simm.s32 $0x9;
	_ =	strace $0x8000004B  }
0xb3: {  	_ =	swait.ge [sflag:s29], $0x1  }
0xb4: {  	[sflag:s29] =	ssyncadd.s32 $0xFFFFFFFF  }
0xb5: {  	_ =	strace $0x9000004B  }
0xb6: {  	_ =	sfence  }
0xb7: {  	s30 =	sld [smem:$0x0];
	_ =	sdelay $0x2  }
0xb8: {  	s31 =	sshll.u32 s1, $0xD;
	s1 =	sshrl.u32 s1, $0x2  }
0xb9: {  	s3 =	sand.u32 $0x4000, s31;
	s1 =	sadd.s32 s1, s30  }
0xba: {  	s0 =	sor.u32 s3, s0;
	s1 =	sshll.u32 s1, $0x11  }
0xbb: {  	s0 =	sor.u32 s1, s0  }
0xbc: {  	s0 =	sadd.s32 $0x8F2B, s0  }
0xbd: {  	[sflag:s0] =	ssyncadd.remote.s32 $0x1  }
0xbe: {  	_ =	sfence.sel $0xFFFF  }
0xbf: {  	[dreg:$0x0] =	wrdreg $0xFFFFFFFF;
	(pc) =	sbr.abs _section_cstart, $3  }
0xc0: {  	[dreg:$0x1] =	wrdreg $0xFFFFFFFF  }
0xc1: {  	_ =	task.clear_ibuf [dreg:s6], $0x2FFFF;
	_ =	strace $0x9FFFFFFF  }
0xc2: {  	(tm) =	ssettm $0x7FFFFFFF  }
0xc3: {  	_ =	shalt  }
tec
execute0_lowered:
.L_overlay_start_1:
0x0: {  	(tag) =	ssettag $0x1  }
0x1: {  	s1 =	rddreg [dreg:$0x0]  }
0x2: {  	s0 =	srdreg.scid;
	s2 =	rddreg [dreg:$0x1]  }
0x3: {  	s9 =	stileid.u32;
	s4 =	simm.s32 $0x0;
	s13 =	simm.s32 $0x7D  }
0x4: {  	s14 =	simm.s32 $0x2800;
	s16 =	simm.s32 $0x2FD0;
	s18 =	simm.s32 $0x37A0  }
0x5: {  	s20 =	simm.s32 $0x3F70;
	s21 =	simm.s32 $0x1;
	s22 =	simm.s32 $0x4740  }
0x6: {  	s28 =	simm.s32 $0x56E0;
	s29 =	simm.s32 $0x4;
	s30 =	simm.s32 $0x5EB0  }
0x7: {  	s31 =	simm.s32 $0x5;
	s17 =	simm.s32 $0xB;
	s19 =	simm.s32 $0xC  }
0x8: {  	s0 =	sand.u32 $0x1, s0;
	[smem:$0x7FF] =	sst s4;
	s4 =	sadd.s32 $0xB800, s1  }
0x9: {  	s6 =	smul.u32 $0x280, s9;
	s8 =	sadd.s32 $0x15600, s1;
	s25 =	sshll.u32 s9, $0x6  }
0xa: {  	s3 =	sshll.u32 s0, $0x4;
	_ =	strace $0x8000004A;
	s5 =	smul.u32 $0x4E20, s0  }
0xb: {  	s0 =	ssub.s32 $0x2, s0;
	[dreg:$0x3] =	wrdreg s8;
	s8 =	simm.s32 $0x11  }
0xc: {  	s11 =	sor.u32 $0x1C11, s25;
	s25 =	simm.s32 $0x4F10;
	s3 =	sor.u32 s9, s3  }
0xd: {  	s23 =	sshrl.u32 s0, $0x1;
	s6 =	smin.u32 s6, $0x2490;
	s9 =	simm.s32 $0x10  }
0xe: {  	s3 =	smul.u32 $0x280, s3;
	s5 =	sadd.s32 s5, s1;
	s0 =	ssub.s32 s0, s23  }
0xf: {  	s24 =	sshll.u32 s6, $0x4;
	s6 =	sshll.u32 s6, $0x1;
	s23 =	simm.s32 $0x2  }
0x10: {  	s5 =	sadd.s32 $0x15C00, s5;
	s0 =	smax.u32 s0, $0x1;
	s7 =	sadd.s32 s3, s1  }
.Ltmp0:
0x11: {  	[dreg:$0x5] =	wrdreg s0;
	s26 =	sadd.s32 s6, s5;
	(pc) =	sbr.rel .LBB2_1-.Ltmp0, $4  }
0x12: {  	s1 =	sadd.s32 $0x6800, s1;
	s7 =	sadd.s32 $0x1800, s7;
	[dreg:$0x7] =	wrdreg s26  }
0x13: {  	s0 =	simm.s32 $0x7;
	s1 =	sadd.s32 s3, s1;
	[dreg:$0x4] =	wrdreg s7  }
0x14: {  	s26 =	simm.s32 $0x3;
	s7 =	sadd.s32 s24, s2;
	[dreg:$0x6] =	wrdreg s1  }
0x15: {  	s1 =	simm.s32 $0x8;
	s24 =	simm.s32 $0x0;
	s12 =	sshrl.u32 s7, $0x3  }
.LBB2_4:
0x16: {  	_ =	swait.ge [sflag:s1], $0x7D0  }
0x17: {  	[sflag:s1] =	ssyncset.done $0x0  }
0x18: {  	s3 =	simm.s32 $0x9;
	[sflag:s1] =	ssyncadd.s32 $0xFFFFF830  }
0x19: {  	[spmem:s2] =	stream.indirect.scatter.add.bf16 [tilespmem:s30], [sflag:$0x10], $0x10, s15, s13, $0xb8;
	[tilespmem:$0x8D90] =	vst v63  }
0x1a: {  	_ =	swait.ge [sflag:s3], $0x7D0  }
0x1b: {  	[sflag:s3] =	ssyncset.done $0x0  }
0x1c: {  	s15 =	simm.s32 $0xA;
	[sflag:s3] =	ssyncadd.s32 $0xFFFFF830  }
0x1d: {  	_ =	swait.ge [sflag:s15], $0x7D0  }
0x1e: {  	[sflag:s15] =	ssyncset.done $0x0  }
0x1f: {  	[sflag:s15] =	ssyncadd.s32 $0xFFFFF830  }
0x20: {  	_ =	swait.ge [sflag:s17], $0x7D0  }
0x21: {  	[sflag:s17] =	ssyncset.done $0x0  }
0x22: {  	[sflag:s17] =	ssyncadd.s32 $0xFFFFF830  }
0x23: {  	_ =	swait.ge [sflag:s19], $0x7D0  }
0x24: {  	[sflag:s19] =	ssyncset.done $0x0  }
0x25: {  	s5 =	simm.s32 $0xD;
	[sflag:s19] =	ssyncadd.s32 $0xFFFFF830  }
0x26: {  	_ =	swait.ge [sflag:s5], $0x7D0  }
0x27: {  	[sflag:s5] =	ssyncset.done $0x0  }
0x28: {  	s6 =	simm.s32 $0xE;
	[sflag:s5] =	ssyncadd.s32 $0xFFFFF830  }
0x29: {  	_ =	swait.ge [sflag:s6], $0x7D0  }
0x2a: {  	[sflag:s6] =	ssyncset.done $0x0  }
0x2b: {  	s7 =	simm.s32 $0xF;
	[sflag:s6] =	ssyncadd.s32 $0xFFFFF830  }
0x2c: {  	_ =	swait.ge [sflag:s7], $0x7D0  }
0x2d: {  	[sflag:s7] =	ssyncset.done $0x0  }
0x2e: {  	[sflag:s7] =	ssyncadd.s32 $0xFFFFF830  }
0x2f: {  	_ =	swait.ge [sflag:s9], $0x7D0  }
0x30: {  	[sflag:s9] =	ssyncset.done $0x0  }
0x31: {  	[sflag:s9] =	ssyncadd.s32 $0xFFFFF830  }
0x32: {  	[bflag:$0x0] =	sbarrier.arrive $0xFFFF  }
0x33: {  	s10 =	rddreg [dreg:$0x7]  }
0x34: {  	[hbm:s10], [sflag:s11] =	dma.local [spmem:s12], $0x500  }
0x35: {  	_ =	swait.ge [sflag:s8], $0x500  }
0x36: {  	s24 =	sadd.s32 $0x1, s24;
	s15 =	rddreg [dreg:$0x5]  }
0x37: {  	p0 =	sne.s32 s24, s15  }
.Ltmp1:
0x38: {  	_ = 	snop;
	(pc) =	sbr.rel @!p0 .LBB2_5-.Ltmp1, $3  }
0x39: {  	_ =	sdelay $0x1  }
0x3a: {  	[sflag:s8] =	ssyncset.done $0x0  }
0x3b: {  	[sflag:s8] =	ssyncadd.s32 $0xFFFFFB00  }
.LBB2_1:
0x3c: {  	s3 =	simm.s32 $0x0;
	s5 =	rddreg [dreg:$0x4]  }
0x3d: {  	[tilespmem:s3], [sflag:$0x11] =	stream.linear.gather [hbm4b:s5+s3], $0x1400, $0x38;
	[tilespmem:$0x8D90] =	vst v63  }
0x3e: {  	_ =	swait.ge [sflag:s8], $0x1400  }
0x3f: {  	[sflag:s8] =	ssyncset.done $0x0  }
0x40: {  	s6 =	simm.s32 $0x1400;
	s15 =	rddreg [dreg:$0x6];
	[sflag:s8] =	ssyncadd.s32 $0xFFFFEC00  }
0x41: {  	[tilespmem:s6], [sflag:$0x11] =	stream.linear.gather [hbm4b:s15+s3], $0x1400, $0x38;
	[tilespmem:$0x8D90] =	vst v63  }
0x42: {  	_ =	swait.ge [sflag:s8], $0x1400  }
0x43: {  	[sflag:s8] =	ssyncset.done $0x0  }
0x44: {  	s6 =	rddreg [dreg:$0x3];
	[sflag:s8] =	ssyncadd.s32 $0xFFFFEC00  }
0x45: {  	[spmem:s12], [sflag:s11] =	dma.local [hbm:s6], $0x500  }
0x46: {  	_ =	swait.ge [sflag:s8], $0x500  }
0x47: {  	[sflag:s8] =	ssyncset.done $0x0  }
0x48: {  	[sflag:s8] =	ssyncadd.s32 $0xFFFFFB00  }
0x49: {  	[bflag:$0x0] =	sbarrier.arrive $0xFFFF  }
0x4a: {  	[tilespmem:s14], [sflag:$0x1] =	stream.indirect.gather [hbm4b:s4+s13], $0x10, s3, s13, $0xb8;
	[tilespmem:$0x8D90] =	vst v63  }
0x4b: {  	s7 =	simm.s32 $0x80  }
0x4c: {  	[tilespmem:s16], [sflag:$0x2] =	stream.indirect.gather [hbm4b:s4+s13], $0x10, s7, s13, $0xb8;
	[tilespmem:$0x8D90] =	vst v63  }
0x4d: {  	s10 =	simm.s32 $0x100  }
0x4e: {  	[tilespmem:s18], [sflag:$0x3] =	stream.indirect.gather [hbm4b:s4+s13], $0x10, s10, s13, $0xb8;
	[tilespmem:$0x8D90] =	vst v63  }
0x4f: {  	s15 =	simm.s32 $0x180;
	s3 =	simm.s32 $0x0  }
0x50: {  	[tilespmem:s20], [sflag:$0x4] =	stream.indirect.gather [hbm4b:s4+s13], $0x10, s15, s13, $0xb8;
	[tilespmem:$0x8D90] =	vst v63  }
.LBB2_2:
0x51: {  	_ =	swait.ge [sflag:s21], $0x7D0  }
0x52: {  	s10 =	sshra.s32 s3, $0x2;
	[sflag:s21] =	ssyncset.done $0x0  }
0x53: {  	p0 =	seq.s32 s3, $0x0;
	s15 =	sadd.s32 $0x1400, s10;
	[sflag:s21] =	ssyncadd.s32 $0xFFFFF830  }
0x54: {  	[spmem:s2] =	stream.indirect.scatter.add.bf16 [tilespmem:s14], [sflag:$0x9], $0x10, s15, s13, $0xb8;
	[tilespmem:$0x8D90] =	vst v63  }
0x55: {  	s15 =	simm.s32 @!p0 $0xD  }
0x56: {  	_ =	swait.ge @!p0 [sflag:s15], $0x7D0  }
0x57: {  	[sflag:s15] =	ssyncset.done @!p0 $0x0  }
0x58: {  	s6 =	sadd.s32 $0x200, s10;
	[sflag:s15] =	ssyncadd.s32 @!p0 $0xFFFFF830  }
0x59: {  	[tilespmem:s22], [sflag:$0x5] =	stream.indirect.gather [hbm4b:s4+s13], $0x10, s6, s13, $0xb8;
	[tilespmem:$0x8D90] =	vst v63  }
0x5a: {  	_ =	swait.ge [sflag:s23], $0x7D0  }
0x5b: {  	[sflag:s23] =	ssyncset.done $0x0  }
0x5c: {  	s7 =	sadd.s32 $0x1480, s10;
	s15 =	simm.s32 @!p0 $0xE;
	[sflag:s23] =	ssyncadd.s32 $0xFFFFF830  }
0x5d: {  	[spmem:s2] =	stream.indirect.scatter.add.bf16 [tilespmem:s16], [sflag:$0xA], $0x10, s7, s13, $0xb8;
	[tilespmem:$0x8D90] =	vst v63  }
0x5e: {  	_ =	swait.ge @!p0 [sflag:s15], $0x7D0  }
0x5f: {  	[sflag:s15] =	ssyncset.done @!p0 $0x0  }
0x60: {  	s5 =	sadd.s32 $0x280, s10;
	[sflag:s15] =	ssyncadd.s32 @!p0 $0xFFFFF830  }
0x61: {  	[tilespmem:s25], [sflag:$0x6] =	stream.indirect.gather [hbm4b:s4+s13], $0x10, s5, s13, $0xb8;
	[tilespmem:$0x8D90] =	vst v63  }
0x62: {  	_ =	swait.ge [sflag:s26], $0x7D0  }
0x63: {  	[sflag:s26] =	ssyncset.done $0x0  }
0x64: {  	s6 =	sadd.s32 $0x1500, s10;
	s15 =	simm.s32 @!p0 $0xF;
	[sflag:s26] =	ssyncadd.s32 $0xFFFFF830  }
0x65: {  	[spmem:s2] =	stream.indirect.scatter.add.bf16 [tilespmem:s18], [sflag:$0xB], $0x10, s6, s13, $0xb8;
	[tilespmem:$0x8D90] =	vst v63  }
0x66: {  	_ =	swait.ge @!p0 [sflag:s15], $0x7D0  }
0x67: {  	[sflag:s15] =	ssyncset.done @!p0 $0x0  }
0x68: {  	s7 =	sadd.s32 $0x300, s10;
	[sflag:s15] =	ssyncadd.s32 @!p0 $0xFFFFF830  }
0x69: {  	[tilespmem:s28], [sflag:$0x7] =	stream.indirect.gather [hbm4b:s4+s13], $0x10, s7, s13, $0xb8;
	[tilespmem:$0x8D90] =	vst v63  }
0x6a: {  	_ =	swait.ge [sflag:s29], $0x7D0  }
0x6b: {  	[sflag:s29] =	ssyncset.done $0x0  }
0x6c: {  	s5 =	sadd.s32 $0x1580, s10;
	s15 =	simm.s32 @!p0 $0x10;
	[sflag:s29] =	ssyncadd.s32 $0xFFFFF830  }
0x6d: {  	[spmem:s2] =	stream.indirect.scatter.add.bf16 [tilespmem:s20], [sflag:$0xC], $0x10, s5, s13, $0xb8;
	[tilespmem:$0x8D90] =	vst v63  }
0x6e: {  	_ =	swait.ge @!p0 [sflag:s15], $0x7D0  }
0x6f: {  	[sflag:s15] =	ssyncset.done @!p0 $0x0  }
0x70: {  	s6 =	sadd.s32 $0x380, s10;
	[sflag:s15] =	ssyncadd.s32 @!p0 $0xFFFFF830  }
0x71: {  	[tilespmem:s30], [sflag:$0x8] =	stream.indirect.gather [hbm4b:s4+s13], $0x10, s6, s13, $0xb8;
	[tilespmem:$0x8D90] =	vst v63  }
0x72: {  	_ =	swait.ge [sflag:s31], $0x7D0  }
0x73: {  	p0 =	seq.s32 s3, $0x4000;
	[sflag:s31] =	ssyncset.done $0x0  }
0x74: {  	s7 =	sadd.s32 $0x1600, s10;
	s15 =	simm.s32 @p0 $0x6;
	[sflag:s31] =	ssyncadd.s32 $0xFFFFF830  }
0x75: {  	[spmem:s2] =	stream.indirect.scatter.add.bf16 [tilespmem:s22], [sflag:$0xD], $0x10, s7, s13, $0xb8;
	[tilespmem:$0x8D90] =	vst v63  }
0x76: {  	_ =	swait.ge @p0 [sflag:s15], $0x7D0  }
0x77: {  	[sflag:s15] =	ssyncset.done @p0 $0x0  }
0x78: {  	[sflag:s15] =	ssyncadd.s32 @p0 $0xFFFFF830;
	s15 =	sshra.s32 @p0 s3, $0x2  }
0x79: {  	s5 =	simm.s32 @p0 $0x7D;
	s6 =	simm.s32 @p0 $0x4F10;
	s15 =	sadd.s32 @p0 $0x1680, s15  }
0x7a: {  	[spmem:s2] =	stream.indirect.scatter.add.bf16 @p0 [tilespmem:s6], [sflag:$0xE], $0x10, s15, s5, $0xb8;
	[tilespmem:$0x8D90] =	vst v63  }
0x7b: {  	s5 =	simm.s32 @!p0 $0x9  }
0x7c: {  	_ =	swait.ge @!p0 [sflag:s5], $0x7D0  }
0x7d: {  	[sflag:s5] =	ssyncset.done @!p0 $0x0  }
0x7e: {  	[sflag:s5] =	ssyncadd.s32 @!p0 $0xFFFFF830;
	s5 =	sshra.s32 @!p0 s3, $0x2  }
0x7f: {  	s7 =	simm.s32 @!p0 $0x2800;
	s15 =	simm.s32 @!p0 $0x7D;
	s6 =	sadd.s32 @!p0 $0x400, s5  }
0x80: {  	[tilespmem:s7], [sflag:$0x1] =	stream.indirect.gather @!p0 [hbm4b:s4+s15], $0x10, s6, s15, $0xb8;
	[tilespmem:$0x8D90] =	vst v63  }
0x81: {  	s6 =	simm.s32 @!p0 $0x6  }
0x82: {  	_ =	swait.ge @!p0 [sflag:s6], $0x7D0  }
0x83: {  	[sflag:s6] =	ssyncset.done @!p0 $0x0  }
0x84: {  	s7 =	simm.s32 @!p0 $0x4F10;
	[sflag:s6] =	ssyncadd.s32 @!p0 $0xFFFFF830;
	s6 =	sadd.s32 @!p0 $0x1680, s5  }
0x85: {  	[spmem:s2] =	stream.indirect.scatter.add.bf16 @!p0 [tilespmem:s7], [sflag:$0xE], $0x10, s6, s15, $0xb8;
	[tilespmem:$0x8D90] =	vst v63  }
0x86: {  	s6 =	simm.s32 @!p0 $0xA  }
0x87: {  	_ =	swait.ge @!p0 [sflag:s6], $0x7D0  }
0x88: {  	[sflag:s6] =	ssyncset.done @!p0 $0x0  }
0x89: {  	s5 =	sadd.s32 @!p0 $0x480, s5;
	[sflag:s6] =	ssyncadd.s32 @!p0 $0xFFFFF830;
	s6 =	simm.s32 @!p0 $0x2FD0  }
0x8a: {  	[tilespmem:s6], [sflag:$0x2] =	stream.indirect.gather @!p0 [hbm4b:s4+s15], $0x10, s5, s15, $0xb8;
	[tilespmem:$0x8D90] =	vst v63  }
.Ltmp2:
0x8b: {  	_ =	swait.ge [sflag:s0], $0x7D0;
	(pc) =	sbr.rel @p0 .LBB2_4-.Ltmp2, $4  }
0x8c: {  	[sflag:s0] =	ssyncset.done $0x0  }
0x8d: {  	s15 =	sadd.s32 $0x1700, s10;
	[sflag:s0] =	ssyncadd.s32 $0xFFFFF830  }
0x8e: {  	[spmem:s2] =	stream.indirect.scatter.add.bf16 [tilespmem:s28], [sflag:$0xF], $0x10, s15, s13, $0xb8;
	[tilespmem:$0x8D90] =	vst v63  }
0x8f: {  	s15 =	sadd.s32 $0x1780, s10  }
0x90: {  	_ =	swait.ge [sflag:s17], $0x7D0  }
0x91: {  	[sflag:s17] =	ssyncset.done $0x0  }
0x92: {  	s5 =	sadd.s32 $0x500, s10;
	[sflag:s17] =	ssyncadd.s32 $0xFFFFF830  }
0x93: {  	[tilespmem:s18], [sflag:$0x3] =	stream.indirect.gather [hbm4b:s4+s13], $0x10, s5, s13, $0xb8;
	[tilespmem:$0x8D90] =	vst v63  }
0x94: {  	_ =	swait.ge [sflag:s1], $0x7D0  }
0x95: {  	[sflag:s1] =	ssyncset.done $0x0  }
0x96: {  	[sflag:s1] =	ssyncadd.s32 $0xFFFFF830  }
0x97: {  	[spmem:s2] =	stream.indirect.scatter.add.bf16 [tilespmem:s30], [sflag:$0x10], $0x10, s15, s13, $0xb8;
	[tilespmem:$0x8D90] =	vst v63  }
.Ltmp3:
0x98: {  	_ = 	snop;
	(pc) =	sbr.rel .LBB2_2-.Ltmp3, $4  }
0x99: {  	_ =	swait.ge [sflag:s19], $0x7D0  }
0x9a: {  	[sflag:s19] =	ssyncset.done $0x0  }
0x9b: {  	s3 =	sadd.s32 $0x1000, s3;
	s15 =	sadd.s32 $0x580, s10;
	[sflag:s19] =	ssyncadd.s32 $0xFFFFF830  }
0x9c: {  	[tilespmem:s20], [sflag:$0x4] =	stream.indirect.gather [hbm4b:s4+s13], $0x10, s15, s13, $0xb8;
	[tilespmem:$0x8D90] =	vst v63  }
.LBB2_5:
0x9d: {  	_ =	sfence.sel $0x180000  }
0x9e: {  	[bflag:$0x0] =	sbarrier.arrive $0xFFFF  }
0x9f: {  	_ =	strace $0x9000004A  }
0xa0: {  	s0 =	stileid.u32;
	[bflag:$0x2] =	sbarrier.arrive $0xFFFF  }
0xa1: {  	p0 =	sne.s32 s0, $0x0;
	s0 =	rddreg [dreg:$0x2]  }
0xa2: {  	s0 =	sadd.s32 @!p0 $0x100000, s0  }
0xa3: {  	[sflag:s0] =	ssyncadd.tile.s32 @!p0 $0x1;
	_ =	shalt  }
.Lfunc_end2:
_tile_overlayer_lowered:
.L_overlay_start_2:
0xa4: {  	(tag) =	ssettag $0x2  }
0xa5: {  	s0 =	rddreg [dreg:$0x0];
	s2 =	stileid.u32  }
0xa6: {  	s1 =	rddreg [dreg:$0x1];
	p0 =	sne.s32 s2, $0x0  }
0xa7: {  	s3 =	rddreg [dreg:$0x2];
	[bflag:$0x3] =	sbarrier.arrive $0xFFFF;
	s2 =	simm.s32 @!p0 $0x1C11  }
0xa8: {  	[timem:s3], [sflag:s2] =	dma.local @!p0 [hbm:s0], s1  }
0xa9: {  	s0 =	simm.s32 @!p0 $0x11  }
0xaa: {  	_ =	swait.ge @!p0 [sflag:s0], s1  }
0xab: {  	s1 =	ssub.s32 @!p0 $0x0, s1;
	[sflag:s0] =	ssyncset.done @!p0 $0x0  }
0xac: {  	[sflag:s0] =	ssyncadd.s32 @!p0 s1  }
0xad: {  	[bflag:$0x3] =	sbarrier.arrive $0xFFFF  }
0xae: {  	_ =	shalt  }

// kernel: kernel.7.cloned.1.call-start
scs
__scs_entry_jumppad:
0x0: {  	(pc) =	sbr.rel $0x88, $3  }
0x1: {  	(tag) =	ssettag $0x0;
	lr =	simm.s32 $0x1  }
0x2: {  	[smem:$0x3F99] =	sst lr;
	_ =	strace $0xD0000000  }
0x3: {  	_ = 	snop  }
0x4: {  	_ = 	snop  }
0x5: {  	_ = 	snop  }
0x6: {  	_ = 	snop  }
0x7: {  	_ = 	snop  }
__scs_overlays_trampoline_lowered:
0x8: {  	[smem:$0x3FA8] =	sst s0  }
0x9: {  	[smem:$0x3FA9] =	sst s1  }
0xa: {  	[smem:$0x3FAA] =	sst s2  }
0xb: {  	[smem:$0x3FAB] =	sst s3  }
0xc: {  	[smem:$0x3FAC] =	sst s4  }
0xd: {  	[smem:$0x3FAD] =	sst s5  }
0xe: {  	[smem:$0x3FAE] =	sst s6  }
0xf: {  	[smem:$0x3FAF] =	sst s7  }
0x10: {  	[smem:$0x3FB0] =	sst s8  }
0x11: {  	[smem:$0x3FB1] =	sst s9;
	s0 =	simm.s32 @!p0 $0x0  }
0x12: {  	s1 =	sld [smem:$0x3F97];
	s0 =	simm.s32 @p0 $0x1  }
0x13: {  	[smem:$0x3FB2] =	sst s0;
	s0 =	simm.s32 @!p1 $0x0  }
0x14: {  	s2 =	sld [smem:$0x3F96];
	s0 =	simm.s32 @p1 $0x1  }
0x15: {  	[smem:$0x3FB3] =	sst s0;
	s0 =	simm.s32 @!p2 $0x0  }
0x16: {  	s3 =	sld [smem:$0x3FDB];
	s0 =	simm.s32 @p2 $0x1  }
0x17: {  	s4 =	simm.s32 $0x1BF5;
	[smem:$0x3FB5] =	sst s0  }
0x18: {  	s0 =	sld [smem:$0x3F98];
	_ =	swait.ge [sflag:s4], $0x0  }
0x19: {  	s7 =	sld [smem:$0x3F99]  }
0x1a: {  	s8 =	sadd.s32 $0xFFFFE003, lr  }
0x1b: {  	s9 =	sadd.s32 $0xFFFFFEF7, lr;
	s5 =	simm.s32 $0xFFFFFFFF;
	p2 =	slt.u32 s8, $0xFFFFF086  }
0x1c: {  	p1 =	slt.u32 s9, $0xF7A;
	s5 =	simm.s32 @!p2 $0x0  }
0x1d: {  	s5 =	simm.s32 @p1 $0x1;
	p0 =	seq.s32 s7, s2  }
0x1e: {  	s7 =	smul.u32 @!p0 $0xF7A, s2;
	p2 =	seq.s32 @!p0 s5, $0x0  }
0x1f: {  	s9 =	smul.u32 $0xF7A, s1;
	s8 =	simm.s32 @!p0 $0x1BF5;
	p2 =	por !p2, p0  }
0x20: {  	[sflag:s8] =	ssyncset.s32 @!p0 $0xFFFFF086;
	s6 =	sadd.s32 @!p0 s3, s7;
	s7 =	simm.s32 @!p0 $0x108  }
0x21: {  	s3 =	sadd.s32 s3, s9;
	s6 =	sadd.s32 @!p0 $0x88, s6;
	s7 =	simm.s32 @p2 $0x1082  }
0x22: {  	[simem:s7], [sflag:s8] =	dma.local @!p0 [hbm:s6], $0xF7A  }
0x23: {  	s9 =	sor.u32 $0xD0000000, s2;
	s6 =	simm.s32 $0x108;
	_ =	swait.ge @!p0 [sflag:s8], $0x0  }
0x24: {  	s3 =	sadd.s32 $0x88, s3;
	s6 =	simm.s32 @!p1 $0x1082;
	[sflag:s4] =	ssyncset.s32 $0xFFFFF086  }
0x25: {  	[simem:s6], [sflag:s4] =	dma.local [hbm:s3], $0xF7A  }
0x26: {  	[smem:$0x3F99] =	sst s1;
	(tag) =	ssettag s2;
	_ =	strace s9  }
0x27: {  	s1 =	sld [smem:$0x3FA9]  }
0x28: {  	s2 =	sld [smem:$0x3FAA]  }
0x29: {  	s4 =	sld [smem:$0x3FAC]  }
0x2a: {  	p0 =	seq.s32 s5, $0x0;
	s5 =	sld [smem:$0x3FAD]  }
0x2b: {  	s6 =	sld [smem:$0x3FAE]  }
0x2c: {  	s7 =	sld [smem:$0x3FAF]  }
0x2d: {  	s3 =	simm.s32 $0x108;
	s8 =	sld [smem:$0x3FB0]  }
0x2e: {  	s3 =	simm.s32 @!p0 $0x1082;
	s9 =	sld [smem:$0x3FB1]  }
0x2f: {  	lr =	sadd.s32 s0, s3;
	s0 =	sld [smem:$0x3FA8]  }
0x30: {  	s3 =	sld [smem:$0x3FAB]  }
0x31: {  	[smem:$0x3FB4] =	sst s10  }
0x32: {  	s10 =	sld [smem:$0x3FB2];
	_ =	sdelay $0x3  }
0x33: {  	p0 =	seq.s32 s10, $0x1;
	s10 =	sld [smem:$0x3FB4];
	_ =	sdelay $0x3  }
0x34: {  	[smem:$0x3FB4] =	sst s10  }
0x35: {  	s10 =	sld [smem:$0x3FB3];
	_ =	sdelay $0x3  }
0x36: {  	p1 =	seq.s32 s10, $0x1;
	s10 =	sld [smem:$0x3FB4];
	_ =	sdelay $0x3  }
0x37: {  	[smem:$0x3FB4] =	sst s10  }
0x38: {  	s10 =	sld [smem:$0x3FB5]  }
0x39: {  	_ = 	snop;
	(pc) =	sbr.ind lr, $3  }
0x3a: {  	_ = 	snop  }
0x3b: {  	_ = 	snop  }
0x3c: {  	p2 =	seq.s32 s10, $0x1;
	s10 =	sld [smem:$0x3FB4]  }
0x3d: {  	_ =	shalt  }
0x3e: {  	_ =	shalt  }
0x3f: {  	_ =	shalt  }
0x40: {  	_ =	shalt  }
0x41: {  	_ =	shalt  }
0x42: {  	_ =	shalt  }
0x43: {  	_ =	shalt  }
0x44: {  	_ =	shalt  }
0x45: {  	_ =	shalt  }
0x46: {  	_ =	shalt  }
0x47: {  	_ =	shalt  }
0x48: {  	_ =	shalt  }
0x49: {  	_ =	shalt  }
0x4a: {  	_ =	shalt  }
0x4b: {  	_ =	shalt  }
0x4c: {  	_ =	shalt  }
0x4d: {  	_ =	shalt  }
0x4e: {  	_ =	shalt  }
0x4f: {  	_ =	shalt  }
0x50: {  	_ =	shalt  }
0x51: {  	_ =	shalt  }
0x52: {  	_ =	shalt  }
0x53: {  	_ =	shalt  }
0x54: {  	_ =	shalt  }
0x55: {  	_ =	shalt  }
0x56: {  	_ =	shalt  }
0x57: {  	_ =	shalt  }
0x58: {  	_ =	shalt  }
0x59: {  	_ =	shalt  }
0x5a: {  	_ =	shalt  }
0x5b: {  	_ =	shalt  }
0x5c: {  	_ =	shalt  }
0x5d: {  	_ =	shalt  }
0x5e: {  	_ =	shalt  }
0x5f: {  	_ =	shalt  }
0x60: {  	_ =	shalt  }
0x61: {  	_ =	shalt  }
0x62: {  	_ =	shalt  }
0x63: {  	_ =	shalt  }
0x64: {  	_ =	shalt  }
0x65: {  	_ =	shalt  }
0x66: {  	_ =	shalt  }
0x67: {  	_ =	shalt  }
0x68: {  	_ =	shalt  }
0x69: {  	_ =	shalt  }
0x6a: {  	_ =	shalt  }
0x6b: {  	_ =	shalt  }
0x6c: {  	_ =	shalt  }
0x6d: {  	_ =	shalt  }
0x6e: {  	_ =	shalt  }
0x6f: {  	_ =	shalt  }
0x70: {  	_ =	shalt  }
0x71: {  	_ =	shalt  }
0x72: {  	_ =	shalt  }
0x73: {  	_ =	shalt  }
0x74: {  	_ =	shalt  }
0x75: {  	_ =	shalt  }
0x76: {  	_ =	shalt  }
0x77: {  	_ =	shalt  }
0x78: {  	_ =	shalt  }
0x79: {  	_ =	shalt  }
0x7a: {  	_ =	shalt  }
0x7b: {  	_ =	shalt  }
0x7c: {  	_ =	shalt  }
0x7d: {  	_ =	shalt  }
0x7e: {  	_ =	shalt  }
0x7f: {  	_ =	shalt  }
0x80: {  	_ =	shalt  }
0x81: {  	_ =	shalt  }
0x82: {  	_ =	shalt  }
0x83: {  	_ =	shalt  }
0x84: {  	_ =	shalt  }
0x85: {  	_ =	shalt  }
0x86: {  	_ =	shalt  }
0x87: {  	_ =	shalt  }
.Lfunc_end0:
.L_simem_size_0:
called_computation_lowered:
.L_overlay_start_0:
0x88: {  	s2 =	sld [smem:$0x3FD9]  }
0x89: {  	s3 =	sld [smem:$0x3FFE];
	_ =	sdelay $0x1  }
0x8a: {  	s1 =	srdreg.scid  }
0x8b: {  	s0 =	sand.u32 $0x1, s1  }
0x8c: {  	s16 =	sshll.u32 s0, $0xA;
	s2 =	sadd.s32 s3, s2  }
0x8d: {  	s2 =	sadd.s32 s2, s16  }
0x8e: {  	[smem:$0x3FC0] =	sst s2  }
0x8f: {  	_ = 	snop  }
0x90: {  	(tm) =	ssettm $0x1  }
0x91: {  	s17 =	sld [smem:$0x3FFB];
	_ =	sdelay $0x3  }
0x92: {  	_ =	strace s17  }
0x93: {  	s2 =	sld [smem:$0x3FFC];
	_ =	sdelay $0x3  }
0x94: {  	_ =	strace s2  }
0x95: {  	s2 =	sld [smem:$0x3FFD];
	_ =	sdelay $0x3  }
0x96: {  	_ =	strace s2  }
0x97: {  	_ =	strace $0x8FFFFFFF  }
0x98: {  	s18 =	sld [smem:$0x3FDB];
	_ =	sdelay $0x1  }
0x99: {  	s19 =	simm.s32 $_scs_section_size  }
0x9a: {  	s4 =	simm.s32 $_size__tile_overlayer_lowered;
	s5 =	simm.s32 $_tile_overlayer_lowered  }
0x9b: {  	s22 =	simm.s32 $0x1BFF;
	s21 =	sshll.u32 s5, $0x1;
	s2 =	sadd.s32 s19, s18  }
0x9c: {  	s6 =	simm.s32 $0x0;
	s20 =	sshll.u32 s4, $0x1;
	s4 =	sadd.s32 s21, s2  }
0x9d: {  	[timem:s6], [sflag:s22] =	dma.local [hbm:s4], s20  }
0x9e: {  	_ =	swait.ge [sflag:s22], s20  }
0x9f: {  	s3 =	ssub.s32 $0x0, s20;
	[sflag:s22] =	ssyncset.done $0x0  }
0xa0: {  	[sflag:s22] =	ssyncadd.s32 s3;
	_ =	sdelay $0x1  }
0xa1: {  	s23 =	simm.s32 $0x1B8B  }
0xa2: {  	_ =	swait.ge [sflag:s23], $0x1  }
0xa3: {  	[sflag:s23] =	ssyncset.done $0x0  }
0xa4: {  	s25 =	simm.s32 $0x1B8E;
	s24 =	sld [smem:$0x3FFE];
	[sflag:s23] =	ssyncadd.s32 $0xFFFFFFFF  }
0xa5: {  	s26 =	simm.s32 $execute0_lowered;
	[smem:$0x3FD2] =	sst s25  }
0xa6: {  	s4 =	sshll.u32 s26, $0x1;
	_ =	strace $0x80000046;
	[dreg:$0x1] =	wrdreg $0xFFFFFFFF  }
0xa7: {  	s28 =	simm.s32 $_size_execute0_lowered;
	s2 =	sadd.s32 s2, s4;
	[dreg:$0x0] =	wrdreg $0x0  }
0xa8: {  	s4 =	sshll.u32 s28, $0x1;
	[dreg:$0x2] =	wrdreg s2  }
0xa9: {  	[dreg:$0x3] =	wrdreg s4  }
0xaa: {  	[dreg:$0x4] =	wrdreg $0xC0  }
0xab: {  	_ =	task [dreg:s6], $0x5FFFF  }
0xac: {  	[dreg:$0x1] =	wrdreg $0xFFFFFFFF  }
0xad: {  	[dreg:$0x0] =	wrdreg $0x60  }
0xae: {  	[dreg:$0x2] =	wrdreg s24  }
0xaf: {  	[dreg:$0x3] =	wrdreg $0x9  }
0xb0: {  	_ =	task.clear_ibuf [dreg:s6], $0x4FFFF;
	_ =	strace $0x90000046  }
0xb1: {  	s29 =	simm.s32 $0x9;
	_ =	strace $0x80000048  }
0xb2: {  	_ =	swait.ge [sflag:s29], $0x1  }
0xb3: {  	[sflag:s29] =	ssyncadd.s32 $0xFFFFFFFF  }
0xb4: {  	_ =	strace $0x90000048  }
0xb5: {  	_ =	sfence  }
0xb6: {  	s30 =	sld [smem:$0x0];
	_ =	sdelay $0x2  }
0xb7: {  	s31 =	sshll.u32 s1, $0xD;
	s1 =	sshrl.u32 s1, $0x2  }
0xb8: {  	s3 =	sand.u32 $0x4000, s31;
	s1 =	sadd.s32 s1, s30  }
0xb9: {  	s0 =	sor.u32 s3, s0;
	s1 =	sshll.u32 s1, $0x11  }
0xba: {  	s0 =	sor.u32 s1, s0  }
0xbb: {  	s0 =	sadd.s32 $0x8F2B, s0  }
0xbc: {  	[sflag:s0] =	ssyncadd.remote.s32 $0x1  }
0xbd: {  	_ =	sfence.sel $0xFFFF  }
0xbe: {  	[dreg:$0x0] =	wrdreg $0xFFFFFFFF;
	(pc) =	sbr.abs _section_cstart, $3  }
0xbf: {  	[dreg:$0x1] =	wrdreg $0xFFFFFFFF  }
0xc0: {  	_ =	task.clear_ibuf [dreg:s6], $0x2FFFF;
	_ =	strace $0x9FFFFFFF  }
0xc1: {  	(tm) =	ssettm $0x7FFFFFFF  }
tec
execute0_lowered:
.L_overlay_start_1:
0x0: {  	(tag) =	ssettag $0x1  }
0x1: {  	s0 =	srdreg.scid  }
0x2: {  	s3 =	sand.u32 $0x1, s0  }
0x3: {  	s4 =	rddreg [dreg:$0x0];
	s0 =	stileid.u32;
	s1 =	sshll.u32 s3, $0x4  }
0x4: {  	s2 =	simm.s32 $0x0;
	s9 =	simm.s32 $0x2800;
	s5 =	sor.u32 s0, s1  }
0x5: {  	s10 =	simm.s32 $0x0;
	[smem:$0x7FF] =	sst s2;
	s7 =	smul.u32 $0x280, s5  }
0x6: {  	s31 =	sadd.s32 $0x6800, s4;
	s3 =	ssub.s32 $0x2, s3;
	s5 =	smul.u32 $0x4E2, s5  }
0x7: {  	s1 =	rddreg [dreg:$0x1];
	_ =	strace $0x80000047;
	s6 =	sshrl.u32 s3, $0x1  }
0x8: {  	s6 =	ssub.s32 s3, s6;
	s8 =	sadd.s32 s7, s4;
	s5 =	sadd.s32 s5, s4  }
0x9: {  	s7 =	sadd.s32 s7, s31;
	s3 =	sadd.s32 $0x1800, s8;
	s4 =	sadd.s32 $0xB800, s5  }
0xa: {  	v0 =	vimm.s32 $0x0;
	vm0 =	vcmask $0x3F0C;
	s5 =	smax.u32 s6, $0x1;
	s6 =	simm.s32 $0x1;
	s8 =	simm.s32 $0x1400  }
.LBB2_1:
0xb: {  	[tilespmem:s2], [sflag:$0x1] =	stream.linear.gather [hbm4b:s3+s2], $0x1400, $0x38;
	[tilespmem:$0x4F10] =	vst v63  }
0xc: {  	_ =	swait.ge [sflag:s6], $0x1400  }
0xd: {  	[sflag:s6] =	ssyncset.done $0x0  }
0xe: {  	[sflag:s6] =	ssyncadd.s32 $0xFFFFEC00  }
0xf: {  	[tilespmem:s8], [sflag:$0x1] =	stream.linear.gather [hbm4b:s7+s2], $0x1400, $0x38;
	[tilespmem:$0x4F10] =	vst v63  }
0x10: {  	_ =	swait.ge [sflag:s6], $0x1400  }
0x11: {  	[sflag:s6] =	ssyncset.done $0x0  }
0x12: {  	s11 =	simm.s32 $0x0;
	[sflag:s6] =	ssyncadd.s32 $0xFFFFEC00  }
.LBB2_2:
0x13: {  	p0 =	sne.s32 s11, $0x9C00  }
.Ltmp0:
0x14: {  	_ = 	snop;
	(pc) =	sbr.rel @p0 .LBB2_2-.Ltmp0, $3  }
0x15: {  	_ =	sdelay $0x1  }
0x16: {  	s12 =	sshra.s32 s11, $0x2  }
0x17: {  	s11 =	sadd.s32 $0x40, s11;
	[tilespmem:s12+$0x2800] =	vst v0  }
0x18: {  	s11 =	simm.s32 $0x0  }
.LBB2_4:
0x19: {  	s12 =	sshra.s32 s11, $0x2  }
0x1a: {  	v1 =	vld [tilespmem:s12+$0x0];
	_ =	sdelay $0x4  }
0x1b: {  	(xrf1) =	vunique.msk.u32 $0xffff, v1;
	_ =	sdelay $0xd  }
0x1c: {  	_, v2, vm1 =	vpop (xrf1);
	_ =	sdelay $0x5  }
0x1d: {  	[tilespmem:v1+s9+$0x0] =	vst.idx.add.s32.msk vm1, v2  }
0x1e: {  	v1 =	vld [tilespmem:s12+$0x1400];
	_ =	sdelay $0x4  }
0x1f: {  	(xrf1) =	vunique.msk.u32 $0xffff, v1;
	_ =	sdelay $0xd  }
0x20: {  	_, v2, vm1 =	vpop (xrf1);
	_ =	sdelay $0x4  }
0x21: {  	v2 =	vshll.u32 v2, $0x10  }
0x22: {  	[tilespmem:v1+s9+$0x0] =	vst.idx.add.s32.msk vm1, v2  }
0x23: {  	v1 =	vld [tilespmem:s12+$0x10];
	_ =	sdelay $0x4  }
0x24: {  	(xrf1) =	vunique.msk.u32 $0xffff, v1;
	_ =	sdelay $0xd  }
0x25: {  	_, v2, vm1 =	vpop (xrf1);
	_ =	sdelay $0x5  }
0x26: {  	[tilespmem:v1+s9+$0x0] =	vst.idx.add.s32.msk vm1, v2  }
0x27: {  	v1 =	vld [tilespmem:s12+$0x1410];
	_ =	sdelay $0x4  }
0x28: {  	(xrf1) =	vunique.msk.u32 $0xffff, v1;
	_ =	sdelay $0xd  }
0x29: {  	_, v2, vm1 =	vpop (xrf1);
	_ =	sdelay $0x4  }
0x2a: {  	v2 =	vshll.u32 v2, $0x10  }
0x2b: {  	[tilespmem:v1+s9+$0x0] =	vst.idx.add.s32.msk vm1, v2  }
0x2c: {  	v1 =	vld [tilespmem:s12+$0x20];
	_ =	sdelay $0x4  }
0x2d: {  	(xrf1) =	vunique.msk.u32 $0xffff, v1;
	_ =	sdelay $0xd  }
0x2e: {  	_, v2, vm1 =	vpop (xrf1);
	_ =	sdelay $0x5  }
0x2f: {  	[tilespmem:v1+s9+$0x0] =	vst.idx.add.s32.msk vm1, v2  }
0x30: {  	v1 =	vld [tilespmem:s12+$0x1420];
	_ =	sdelay $0x4  }
0x31: {  	(xrf1) =	vunique.msk.u32 $0xffff, v1;
	_ =	sdelay $0xd  }
0x32: {  	_, v2, vm1 =	vpop (xrf1);
	_ =	sdelay $0x4  }
0x33: {  	v2 =	vshll.u32 v2, $0x10  }
0x34: {  	[tilespmem:v1+s9+$0x0] =	vst.idx.add.s32.msk vm1, v2  }
0x35: {  	v1 =	vld [tilespmem:s12+$0x30];
	_ =	sdelay $0x4  }
0x36: {  	(xrf1) =	vunique.msk.u32 $0xffff, v1;
	_ =	sdelay $0xd  }
0x37: {  	_, v2, vm1 =	vpop (xrf1);
	_ =	sdelay $0x5  }
0x38: {  	[tilespmem:v1+s9+$0x0] =	vst.idx.add.s32.msk vm1, v2  }
0x39: {  	v1 =	vld [tilespmem:s12+$0x1430];
	_ =	sdelay $0x4  }
0x3a: {  	(xrf1) =	vunique.msk.u32 $0xffff, v1;
	_ =	sdelay $0xd  }
0x3b: {  	_, v2, vm1 =	vpop (xrf1);
	_ =	sdelay $0x4  }
0x3c: {  	v2 =	vshll.u32 v2, $0x10  }
0x3d: {  	[tilespmem:v1+s9+$0x0] =	vst.idx.add.s32.msk vm1, v2  }
0x3e: {  	v1 =	vld [tilespmem:s12+$0x40];
	_ =	sdelay $0x4  }
0x3f: {  	(xrf1) =	vunique.msk.u32 $0xffff, v1;
	_ =	sdelay $0xd  }
0x40: {  	_, v2, vm1 =	vpop (xrf1);
	_ =	sdelay $0x5  }
0x41: {  	[tilespmem:v1+s9+$0x0] =	vst.idx.add.s32.msk vm1, v2  }
0x42: {  	v1 =	vld [tilespmem:s12+$0x1440];
	_ =	sdelay $0x4  }
0x43: {  	(xrf1) =	vunique.msk.u32 $0xffff, v1;
	_ =	sdelay $0xd  }
0x44: {  	_, v2, vm1 =	vpop (xrf1);
	_ =	sdelay $0x4  }
0x45: {  	v2 =	vshll.u32 v2, $0x10  }
0x46: {  	[tilespmem:v1+s9+$0x0] =	vst.idx.add.s32.msk vm1, v2  }
0x47: {  	v1 =	vld [tilespmem:s12+$0x50];
	_ =	sdelay $0x4  }
0x48: {  	(xrf1) =	vunique.msk.u32 $0xffff, v1;
	_ =	sdelay $0xd  }
0x49: {  	_, v2, vm1 =	vpop (xrf1);
	_ =	sdelay $0x5  }
0x4a: {  	[tilespmem:v1+s9+$0x0] =	vst.idx.add.s32.msk vm1, v2  }
0x4b: {  	v1 =	vld [tilespmem:s12+$0x1450];
	_ =	sdelay $0x4  }
0x4c: {  	(xrf1) =	vunique.msk.u32 $0xffff, v1;
	_ =	sdelay $0xd  }
0x4d: {  	_, v2, vm1 =	vpop (xrf1);
	_ =	sdelay $0x4  }
0x4e: {  	v2 =	vshll.u32 v2, $0x10  }
0x4f: {  	[tilespmem:v1+s9+$0x0] =	vst.idx.add.s32.msk vm1, v2  }
0x50: {  	v1 =	vld [tilespmem:s12+$0x60];
	_ =	sdelay $0x4  }
0x51: {  	(xrf1) =	vunique.msk.u32 $0xffff, v1;
	_ =	sdelay $0xd  }
0x52: {  	_, v2, vm1 =	vpop (xrf1);
	_ =	sdelay $0x5  }
0x53: {  	[tilespmem:v1+s9+$0x0] =	vst.idx.add.s32.msk vm1, v2  }
0x54: {  	v1 =	vld [tilespmem:s12+$0x1460];
	_ =	sdelay $0x4  }
0x55: {  	(xrf1) =	vunique.msk.u32 $0xffff, v1;
	_ =	sdelay $0xd  }
0x56: {  	_, v2, vm1 =	vpop (xrf1);
	_ =	sdelay $0x4  }
0x57: {  	v2 =	vshll.u32 v2, $0x10  }
0x58: {  	[tilespmem:v1+s9+$0x0] =	vst.idx.add.s32.msk vm1, v2  }
0x59: {  	v1 =	vld [tilespmem:s12+$0x6D];
	_ =	sdelay $0x4  }
0x5a: {  	(xrf1) =	vunique.msk.u32 vm0, v1;
	_ =	sdelay $0xd  }
0x5b: {  	_, v2, vm1 =	vpop (xrf1)  }
0x5c: {  	vm1 =	vmand vm1, vm0;
	_ =	sdelay $0x5  }
0x5d: {  	[tilespmem:v1+s9+$0x0] =	vst.idx.add.s32.msk vm1, v2  }
0x5e: {  	v1 =	vld [tilespmem:s12+$0x146D];
	_ =	sdelay $0x4  }
0x5f: {  	(xrf1) =	vunique.msk.u32 vm0, v1;
	_ =	sdelay $0xd  }
0x60: {  	_, v2, vm1 =	vpop (xrf1)  }
0x61: {  	vm1 =	vmand vm1, vm0  }
0x62: {  	p0 =	sne.s32 s11, $0x4E00  }
.Ltmp1:
0x63: {  	_ = 	snop;
	(pc) =	sbr.rel @p0 .LBB2_4-.Ltmp1, $3  }
0x64: {  	_ =	sdelay $0x1  }
0x65: {  	v2 =	vshll.u32 v2, $0x10  }
0x66: {  	s11 =	sadd.s32 $0x200, s11;
	[tilespmem:v1+s9+$0x0] =	vst.idx.add.s32.msk vm1, v2  }
0x67: {  	s10 =	sadd.s32 $0x1, s10  }
0x68: {  	p0 =	sne.s32 s10, s5  }
.Ltmp2:
0x69: {  	_ = 	snop;
	(pc) =	sbr.rel @p0 .LBB2_1-.Ltmp2, $4  }
0x6a: {  	[hbm4b:s4+s2] =	stream.linear.scatter [tilespmem:s9], [sflag:$0x1], $0x2710, $0x38;
	[tilespmem:$0x4F10] =	vst v63  }
0x6b: {  	_ =	swait.ge [sflag:s6], $0x2710  }
0x6c: {  	[sflag:s6] =	ssyncset.done $0x0  }
0x6d: {  	[sflag:s6] =	ssyncadd.s32 $0xFFFFD8F0  }
0x6e: {  	_ =	sfence.sel $0x180000  }
0x6f: {  	[bflag:$0x0] =	sbarrier.arrive $0xFFFF  }
0x70: {  	p0 =	sne.s32 s0, $0x0;
	_ =	strace $0x90000047  }
0x71: {  	s0 =	sadd.s32 @!p0 $0x100000, s1;
	[bflag:$0x2] =	sbarrier.arrive $0xFFFF  }
0x72: {  	[sflag:s0] =	ssyncadd.tile.s32 @!p0 $0x1;
	_ =	shalt  }
.Lfunc_end2:
_tile_overlayer_lowered:
.L_overlay_start_2:
0x73: {  	(tag) =	ssettag $0x2  }
0x74: {  	s0 =	rddreg [dreg:$0x0];
	s2 =	stileid.u32  }
0x75: {  	s1 =	rddreg [dreg:$0x1];
	p0 =	sne.s32 s2, $0x0  }
0x76: {  	s3 =	rddreg [dreg:$0x2];
	[bflag:$0x3] =	sbarrier.arrive $0xFFFF;
	s2 =	simm.s32 @!p0 $0x1C01  }
0x77: {  	[timem:s3], [sflag:s2] =	dma.local @!p0 [hbm:s0], s1  }
0x78: {  	s0 =	simm.s32 @!p0 $0x1  }
0x79: {  	_ =	swait.ge @!p0 [sflag:s0], s1  }
0x7a: {  	s1 =	ssub.s32 @!p0 $0x0, s1;
	[sflag:s0] =	ssyncset.done @!p0 $0x0  }
0x7b: {  	[sflag:s0] =	ssyncadd.s32 @!p0 s1  }
0x7c: {  	[bflag:$0x3] =	sbarrier.arrive $0xFFFF  }
0x7d: {  	_ =	shalt  }

</sc_bundles>
